<compile_context>
chip_gen: v7x
topology: tpu7x:2x2x1
jax: 0.10.2.dev20260603
libtpu: 0.0.44.dev20260713+nightly
codegen_flags: <defaults>
</compile_context>

<pallas_src>
import functools

import jax
import jax.numpy as jnp
from jax import lax
from jax.experimental import pallas as pl
from jax.experimental.pallas import tpu as pltpu
from jax.experimental.pallas import tpu_sc as plsc

_NUM_CONS = 1000000
_NUM_RELS = 1000
_DIM = 32
_B = 4096
_NEG = 10
_REG_SCALE = 0.01
_P_NEG = 1.0

_L = 16
_NW = 32
_K = 128
_POS_PER_W = _B // _NW
_NNEG = 2 * _B * _NEG
_NEG_PER_W = _NNEG // _NW
_NCHUNK_NEG = _NEG_PER_W // _K


def _sc_body(ph, pr, pt, pw, nh, nr, nt, pa, pb,
             W_eh, W_et, W_r, W_ri, out,
             ih0, ir0, it0, ih1, ir1, it1,
             Eh0, Et0, Ft0, Fh0, R0, Ri0,
             Eh1, Et1, Ft1, Fh1, R1, Ri1,
             scores, wv, va, vb, accP, accN, accR, sem0, sem1):
    cid = lax.axis_index("c")
    sid = lax.axis_index("s")
    wid = sid * 2 + cid

    idx_slots = ((ih0, ir0, it0), (ih1, ir1, it1))
    row_slots = ((Eh0, Et0, Ft0, Fh0, R0, Ri0),
                 (Eh1, Et1, Ft1, Fh1, R1, Ri1))
    sems = (sem0, sem1)

    zeros = jnp.zeros((_L,), jnp.float32)
    accP[...] = zeros
    accN[...] = zeros
    accR[...] = zeros
    pltpu.sync_copy(pa, va)
    pltpu.sync_copy(pb, vb)
    a_vec = va[...]
    b_vec = vb[...]
    iota16 = lax.iota(jnp.int32, _L)

    def issue(slot, h_hbm, r_hbm, t_hbm, start):
        ih, ir, it = idx_slots[slot]
        pltpu.sync_copy(h_hbm.at[pl.ds(start, _K)], ih)
        pltpu.sync_copy(r_hbm.at[pl.ds(start, _K)], ir)
        pltpu.sync_copy(t_hbm.at[pl.ds(start, _K)], it)
        Eh, Et, Ft, Fh, R, Ri = row_slots[slot]
        sem = sems[slot]
        pltpu.async_copy(W_eh.at[ih], Eh, sem)
        pltpu.async_copy(W_eh.at[it], Et, sem)
        pltpu.async_copy(W_et.at[it], Ft, sem)
        pltpu.async_copy(W_et.at[ih], Fh, sem)
        pltpu.async_copy(W_r.at[ir], R, sem)
        pltpu.async_copy(W_ri.at[ir], Ri, sem)

    def drain(slot):
        Eh, Et, Ft, Fh, R, Ri = row_slots[slot]
        ih, ir, it = idx_slots[slot]
        sem = sems[slot]
        pltpu.make_async_copy(W_eh.at[ih], Eh, sem).wait()
        pltpu.make_async_copy(W_eh.at[it], Et, sem).wait()
        pltpu.make_async_copy(W_et.at[it], Ft, sem).wait()
        pltpu.make_async_copy(W_et.at[ih], Fh, sem).wait()
        pltpu.make_async_copy(W_r.at[ir], R, sem).wait()
        pltpu.make_async_copy(W_ri.at[ir], Ri, sem).wait()

    def compute(slot, is_pos):
        Eh, Et, Ft, Fh, R, Ri = row_slots[slot]

        def tri_body(i, carry):
            a0 = Eh[i, pl.ds(0, _L)]
            a1 = Eh[i, pl.ds(_L, _L)]
            b0 = Et[i, pl.ds(0, _L)]
            b1 = Et[i, pl.ds(_L, _L)]
            c0 = Ft[i, pl.ds(0, _L)]
            c1 = Ft[i, pl.ds(_L, _L)]
            d0 = Fh[i, pl.ds(0, _L)]
            d1 = Fh[i, pl.ds(_L, _L)]
            r0 = R[i, pl.ds(0, _L)]
            r1 = R[i, pl.ds(_L, _L)]
            q0 = Ri[i, pl.ds(0, _L)]
            q1 = Ri[i, pl.ds(_L, _L)]
            v = (a0 * r0 * c0 + a1 * r1 * c1) + (b0 * q0 * d0 + b1 * q1 * d1)
            scores[i, pl.ds(0, _L)] = v
            if is_pos:
                sq = ((a0 * a0 + a1 * a1) + (b0 * b0 + b1 * b1)
                      + (c0 * c0 + c1 * c1) + (d0 * d0 + d1 * d1)
                      + (r0 * r0 + r1 * r1) + (q0 * q0 + q1 * q1))
                accR[...] = accR[...] + sq
            return carry

        lax.fori_loop(0, _K, tri_body, 0)

        def grp_body(g, carry):
            rows = iota16 + g * _L
            s = plsc.load_gather(scores, [rows, jnp.zeros((_L,), jnp.int32)])
            for k in range(1, _L):
                s = s + plsc.load_gather(
                    scores, [rows, jnp.full((_L,), k, jnp.int32)])
            x = s * a_vec + b_vec
            p = 1.0 / (1.0 + jnp.exp(-x))
            if is_pos:
                d = p - wv[pl.ds(g * _L, _L)]
                accP[...] = accP[...] + d * d
            else:
                accN[...] = accN[...] + p * p
            return carry

        lax.fori_loop(0, _K // _L, grp_body, 0)

    pstart = wid * _POS_PER_W
    issue(0, ph, pr, pt, pstart)
    pltpu.sync_copy(pw.at[pl.ds(pstart, _K)], wv)
    drain(0)
    compute(0, True)

    nbase = wid * _NEG_PER_W
    issue(0, nh, nr, nt, nbase)

    def pair_body(g2, carry):
        c0 = g2 * 2
        issue(1, nh, nr, nt, nbase + (c0 + 1) * _K)
        drain(0)
        compute(0, False)

        @pl.when(c0 + 2 < _NCHUNK_NEG)
        def _():
            issue(0, nh, nr, nt, nbase + (c0 + 2) * _K)

        drain(1)
        compute(1, False)
        return carry

    lax.fori_loop(0, _NCHUNK_NEG // 2, pair_body, 0)

    pltpu.sync_copy(accP, out.at[0, wid])
    pltpu.sync_copy(accN, out.at[1, wid])
    pltpu.sync_copy(accR, out.at[2, wid])


def _make_sc_call():
    mesh = plsc.VectorSubcoreMesh(core_axis_name="c", subcore_axis_name="s")
    idx_t = [pltpu.VMEM((_K,), jnp.int32) for _ in range(6)]
    row_t = [pltpu.VMEM((_K, _DIM), jnp.float32) for _ in range(12)]
    return pl.kernel(
        _sc_body,
        out_type=jax.ShapeDtypeStruct((3, _NW, _L), jnp.float32),
        mesh=mesh,
        compiler_params=pltpu.CompilerParams(
            needs_layout_passes=False, use_tc_tiling_on_sc=False),
        scratch_types=idx_t + row_t + [
            pltpu.VMEM((_K, _L), jnp.float32),
            pltpu.VMEM((_K,), jnp.float32),
            pltpu.VMEM((_L,), jnp.float32),
            pltpu.VMEM((_L,), jnp.float32),
            pltpu.VMEM((_L,), jnp.float32),
            pltpu.VMEM((_L,), jnp.float32),
            pltpu.VMEM((_L,), jnp.float32),
            pltpu.SemaphoreType.DMA,
            pltpu.SemaphoreType.DMA,
        ],
    )


_sc_call = _make_sc_call()


def kernel(h, r, t, w, n_hn, n_rel_hn, n_t, n_h, n_rel_tn, n_tn,
           s_h, s_r, s_t, s_w, W_eh, W_et, W_r, W_ri, lin_w, lin_b):
    ph = h.astype(jnp.int32)
    pr = r.astype(jnp.int32)
    pt = t.astype(jnp.int32)
    nh = jnp.concatenate([n_hn.T.reshape(-1), n_h.T.reshape(-1)]).astype(jnp.int32)
    nr = jnp.concatenate([n_rel_hn.T.reshape(-1), n_rel_tn.T.reshape(-1)]).astype(jnp.int32)
    nt = jnp.concatenate([n_t.T.reshape(-1), n_tn.T.reshape(-1)]).astype(jnp.int32)
    pa = jnp.broadcast_to(0.5 * lin_w[0, 0], (_L,)).astype(jnp.float32)
    pb = jnp.broadcast_to(lin_b[0], (_L,)).astype(jnp.float32)
    w32 = w.astype(jnp.float32)

    out = _sc_call(ph, pr, pt, w32, nh, nr, nt, pa, pb,
                   W_eh, W_et, W_r, W_ri)

    pos_sum = jnp.sum(out[0])
    neg_sum = jnp.sum(out[1])
    reg_sum = jnp.sum(out[2])
    this_loss = (pos_sum + neg_sum * (_P_NEG / (2.0 * _NEG))) / _B
    return this_loss + _REG_SCALE * reg_sum / (2.0 * _B)

# --- scband reference (transcript-rebuilt; emitter-appended) ---
"""Pipeline reference for scband-u-simpl-e-16338055594525 (READ-ONLY COPY).

The authoritative reference and input builder live on the scoring server;
editing this copy changes nothing except your own understanding.
"""

import jax, jax.numpy as jnp
import numpy as np

NUM_CONS = 1000000
NUM_RELS = 1000
DIM = 32
B = 4096
NEG = 10
REG_SCALE = 0.01
P_NEG = 1.0


def setup_inputs(seed: int = 0) -> dict:
    key = jax.random.key(seed)
    ks = jax.random.split(key, 20)
    h = jax.random.randint(ks[0], (B,), 0, NUM_CONS)
    r = jax.random.randint(ks[1], (B,), 0, NUM_RELS)
    t = jax.random.randint(ks[2], (B,), 0, NUM_CONS)
    w = jax.random.uniform(ks[3], (B,), dtype=jnp.float32)
    n_hn = jax.random.randint(ks[4], (B, NEG), 0, NUM_CONS)
    n_rel_hn = jax.random.randint(ks[5], (B, NEG), 0, NUM_RELS)
    n_t = jax.random.randint(ks[6], (B, NEG), 0, NUM_CONS)
    n_h = jax.random.randint(ks[7], (B, NEG), 0, NUM_CONS)
    n_rel_tn = jax.random.randint(ks[8], (B, NEG), 0, NUM_RELS)
    n_tn = jax.random.randint(ks[9], (B, NEG), 0, NUM_CONS)
    s_h = jax.random.randint(ks[10], (1,), 0, NUM_CONS)
    s_r = jax.random.randint(ks[11], (1,), 0, NUM_RELS)
    s_t = jax.random.randint(ks[12], (1,), 0, NUM_CONS)
    s_w = jax.random.uniform(ks[13], (1,), dtype=jnp.float32)
    # learned parameters (xavier-uniform-like init for embeddings)
    lim_e = float(np.sqrt(6.0 / (NUM_CONS + DIM)))
    lim_r = float(np.sqrt(6.0 / (NUM_RELS + DIM)))
    W_eh = jax.random.uniform(ks[14], (NUM_CONS, DIM), minval=-lim_e, maxval=lim_e, dtype=jnp.float32)
    W_et = jax.random.uniform(ks[15], (NUM_CONS, DIM), minval=-lim_e, maxval=lim_e, dtype=jnp.float32)
    W_r = jax.random.uniform(ks[16], (NUM_RELS, DIM), minval=-lim_r, maxval=lim_r, dtype=jnp.float32)
    W_ri = jax.random.uniform(ks[17], (NUM_RELS, DIM), minval=-lim_r, maxval=lim_r, dtype=jnp.float32)
    lin_w = jax.random.normal(ks[18], (1, 1), dtype=jnp.float32) * 0.3
    lin_b = jax.random.normal(ks[19], (1,), dtype=jnp.float32) * 0.3
    return {"h": h, "r": r, "t": t, "w": w, "n_hn": n_hn, "n_rel_hn": n_rel_hn,
            "n_t": n_t, "n_h": n_h, "n_rel_tn": n_rel_tn, "n_tn": n_tn,
            "s_h": s_h, "s_r": s_r, "s_t": s_t, "s_w": s_w,
            "W_eh": W_eh, "W_et": W_et, "W_r": W_r, "W_ri": W_ri,
            "lin_w": lin_w, "lin_b": lin_b}


def _embed(W_eh, W_et, W_r, W_ri, h, r, t):
    emb_h1 = jnp.take(W_eh, h, axis=0)
    emb_h2 = jnp.take(W_eh, t, axis=0)
    emb_r1 = jnp.take(W_r, r, axis=0)
    emb_r2 = jnp.take(W_ri, r, axis=0)
    emb_t1 = jnp.take(W_et, t, axis=0)
    emb_t2 = jnp.take(W_et, h, axis=0)
    return emb_h1, emb_h2, emb_r1, emb_r2, emb_t1, emb_t2


def reference(h, r, t, w, n_hn, n_rel_hn, n_t, n_h, n_rel_tn, n_tn,
              s_h, s_r, s_t, s_w, W_eh, W_et, W_r, W_ri, lin_w, lin_b):
    def liner(x):
        return x * lin_w[0, 0] + lin_b[0]

    h1_e, h2_e, r1_e, r2_e, t1_e, t2_e = _embed(W_eh, W_et, W_r, W_ri, h, r, t)
    hn_h1, hn_h2, hn_r1, hn_r2, hn_t1, hn_t2 = _embed(W_eh, W_et, W_r, W_ri, n_hn, n_rel_hn, n_t)
    tn_h1, tn_h2, tn_r1, tn_r2, tn_t1, tn_t2 = _embed(W_eh, W_et, W_r, W_ri, n_h, n_rel_tn, n_tn)

    init = (jnp.sum(h1_e * t1_e * r1_e, axis=1) + jnp.sum(h2_e * t2_e * r2_e, axis=1)) / 2.0
    htr = init[:, None]
    f_prob_h = liner(htr)
    f_prob_hn = liner(((jnp.sum(hn_h1 * hn_r1 * hn_t1, axis=2) + jnp.sum(hn_h2 * hn_r2 * hn_t2, axis=2)) / 2.0)[..., None])
    f_prob_tn = liner(((jnp.sum(tn_h1 * tn_r1 * tn_t1, axis=2) + jnp.sum(tn_h2 * tn_r2 * tn_t2, axis=2)) / 2.0)[..., None])
    # function == 'logi'
    f_prob_h = jax.nn.sigmoid(f_prob_h)
    f_prob_hn = jax.nn.sigmoid(f_prob_hn)
    f_prob_tn = jax.nn.sigmoid(f_prob_tn)

    f_prob_h = jnp.squeeze(f_prob_h, axis=-1)
    f_score_h = jnp.square(f_prob_h - w)
    f_prob_hn = jnp.squeeze(f_prob_hn, axis=-1)
    f_score_hn = jnp.mean(jnp.square(f_prob_hn), axis=1)
    f_prob_tn = jnp.squeeze(f_prob_tn, axis=-1)
    f_score_tn = jnp.mean(jnp.square(f_prob_tn), axis=1)

    this_loss = jnp.sum((f_score_tn + f_score_hn) / 2.0 * P_NEG + f_score_h) / B
    regularizer = (jnp.sum(jnp.square(h1_e)) / 2.0 / B
                   + jnp.sum(jnp.square(h2_e)) / 2.0 / B
                   + jnp.sum(jnp.square(r1_e)) / 2.0 / B
                   + jnp.sum(jnp.square(r2_e)) / 2.0 / B
                   + jnp.sum(jnp.square(t1_e)) / 2.0 / B
                   + jnp.sum(jnp.square(t2_e)) / 2.0 / B)
    main_loss = this_loss + REG_SCALE * regularizer
    return main_loss

if __name__ == "__main__":
    import jax
    _d = setup_inputs()
    print(jax.jit(kernel)(*tuple(_d.values())))

</pallas_src>

<mosaic_0001>
#map = affine_map<(d0, d1) -> (0)>
#map1 = affine_map<(d0, d1) -> (0, 0)>
#map2 = affine_map<(d0, d1) -> (0, 0, 0)>
module attributes {stable_mosaic.version = 14 : i64} {
  func.func @_sc_body(%arg0: i32, %arg1: i32, %arg2: memref<4096xi32, #tpu.memory_space<hbm>>, %arg3: memref<4096xi32, #tpu.memory_space<hbm>>, %arg4: memref<4096xi32, #tpu.memory_space<hbm>>, %arg5: memref<4096xf32, #tpu.memory_space<hbm>>, %arg6: memref<81920xi32, #tpu.memory_space<hbm>>, %arg7: memref<81920xi32, #tpu.memory_space<hbm>>, %arg8: memref<81920xi32, #tpu.memory_space<hbm>>, %arg9: memref<16xf32, #tpu.memory_space<hbm>>, %arg10: memref<16xf32, #tpu.memory_space<hbm>>, %arg11: memref<1000000x32xf32, #tpu.memory_space<hbm>>, %arg12: memref<1000000x32xf32, #tpu.memory_space<hbm>>, %arg13: memref<1000x32xf32, #tpu.memory_space<hbm>>, %arg14: memref<1000x32xf32, #tpu.memory_space<hbm>>, %arg15: memref<3x32x16xf32, #tpu.memory_space<hbm>>, %arg16: memref<128xi32, #tpu.memory_space<vmem>>, %arg17: memref<128xi32, #tpu.memory_space<vmem>>, %arg18: memref<128xi32, #tpu.memory_space<vmem>>, %arg19: memref<128xi32, #tpu.memory_space<vmem>>, %arg20: memref<128xi32, #tpu.memory_space<vmem>>, %arg21: memref<128xi32, #tpu.memory_space<vmem>>, %arg22: memref<128x32xf32, #tpu.memory_space<vmem>>, %arg23: memref<128x32xf32, #tpu.memory_space<vmem>>, %arg24: memref<128x32xf32, #tpu.memory_space<vmem>>, %arg25: memref<128x32xf32, #tpu.memory_space<vmem>>, %arg26: memref<128x32xf32, #tpu.memory_space<vmem>>, %arg27: memref<128x32xf32, #tpu.memory_space<vmem>>, %arg28: memref<128x32xf32, #tpu.memory_space<vmem>>, %arg29: memref<128x32xf32, #tpu.memory_space<vmem>>, %arg30: memref<128x32xf32, #tpu.memory_space<vmem>>, %arg31: memref<128x32xf32, #tpu.memory_space<vmem>>, %arg32: memref<128x32xf32, #tpu.memory_space<vmem>>, %arg33: memref<128x32xf32, #tpu.memory_space<vmem>>, %arg34: memref<128x16xf32, #tpu.memory_space<vmem>>, %arg35: memref<128xf32, #tpu.memory_space<vmem>>, %arg36: memref<16xf32, #tpu.memory_space<vmem>>, %arg37: memref<16xf32, #tpu.memory_space<vmem>>, %arg38: memref<16xf32, #tpu.memory_space<vmem>>, %arg39: memref<16xf32, #tpu.memory_space<vmem>>, %arg40: memref<16xf32, #tpu.memory_space<vmem>>, %arg41: memref<!tpu.dma_semaphore, #tpu.memory_space<semaphore_mem>>, %arg42: memref<!tpu.dma_semaphore, #tpu.memory_space<semaphore_mem>>) attributes {dimension_semantics = [#tpu.dimension_semantics<core_parallel>, #tpu.dimension_semantics<subcore_parallel>], iteration_bounds = array<i64: 2, 16>, scalar_prefetch = 0 : i64, scratch_operands = 27 : i64, tpu.core_type = #tpu.core_type<sc_vector_subcore>, window_params = [{transform_indices = #map}, {transform_indices = #map}, {transform_indices = #map}, {transform_indices = #map}, {transform_indices = #map}, {transform_indices = #map}, {transform_indices = #map}, {transform_indices = #map}, {transform_indices = #map}, {transform_indices = #map1}, {transform_indices = #map1}, {transform_indices = #map1}, {transform_indices = #map1}, {transform_indices = #map2}]} {
    %mul3A = arith.constant 2 : i32
    %mul3A_0 = arith.muli %arg1, %mul3A : i32
    %add3A = arith.addi %mul3A_0, %arg0 : i32
    %broadcast_in_dim3A = arith.constant 0.000000e+00 : f32
    %broadcast_in_dim3A_1 = vector.broadcast %broadcast_in_dim3A : f32 to vector<16xf32>
    %swap3A = arith.constant 0 : index
    %swap3A_2 = tpu.vector_load %arg38[%swap3A] {strides = array<i32>} : memref<16xf32, #tpu.memory_space<vmem>>, vector<16xf32>,
    tpu.vector_store %arg38[%swap3A], %broadcast_in_dim3A_1 {strides = array<i32>} : memref<16xf32, #tpu.memory_space<vmem>>, vector<16xf32>,
    %swap3A_3 = arith.constant 0 : index
    %swap3A_4 = tpu.vector_load %arg39[%swap3A_3] {strides = array<i32>} : memref<16xf32, #tpu.memory_space<vmem>>, vector<16xf32>,
    tpu.vector_store %arg39[%swap3A_3], %broadcast_in_dim3A_1 {strides = array<i32>} : memref<16xf32, #tpu.memory_space<vmem>>, vector<16xf32>,
    %swap3A_5 = arith.constant 0 : index
    %swap3A_6 = tpu.vector_load %arg40[%swap3A_5] {strides = array<i32>} : memref<16xf32, #tpu.memory_space<vmem>>, vector<16xf32>,
    tpu.vector_store %arg40[%swap3A_5], %broadcast_in_dim3A_1 {strides = array<i32>} : memref<16xf32, #tpu.memory_space<vmem>>, vector<16xf32>,
    "tpu.region"() ({
      %run_scoped3A_85 = tpu.sem_alloc : memref<!tpu.dma_semaphore, #tpu.memory_space<semaphore_mem>>
      tpu.enqueue_dma source(%arg9 : memref<16xf32, #tpu.memory_space<hbm>>) target(%arg36 : memref<16xf32, #tpu.memory_space<vmem>>) target_semaphore(%run_scoped3A_85 : memref<!tpu.dma_semaphore, #tpu.memory_space<semaphore_mem>>)
      tpu.wait_dma2 semaphore(%run_scoped3A_85 : memref<!tpu.dma_semaphore, #tpu.memory_space<semaphore_mem>>) src(%arg9 : memref<16xf32, #tpu.memory_space<hbm>>) dst(%arg36 : memref<16xf32, #tpu.memory_space<vmem>>)
      tpu.yield
    }) : () -> ()
    "tpu.region"() ({
      %run_scoped3A_85 = tpu.sem_alloc : memref<!tpu.dma_semaphore, #tpu.memory_space<semaphore_mem>>
      tpu.enqueue_dma source(%arg10 : memref<16xf32, #tpu.memory_space<hbm>>) target(%arg37 : memref<16xf32, #tpu.memory_space<vmem>>) target_semaphore(%run_scoped3A_85 : memref<!tpu.dma_semaphore, #tpu.memory_space<semaphore_mem>>)
      tpu.wait_dma2 semaphore(%run_scoped3A_85 : memref<!tpu.dma_semaphore, #tpu.memory_space<semaphore_mem>>) src(%arg10 : memref<16xf32, #tpu.memory_space<hbm>>) dst(%arg37 : memref<16xf32, #tpu.memory_space<vmem>>)
      tpu.yield
    }) : () -> ()
    %get3A = arith.constant 0 : index
    %get3A_7 = tpu.vector_load %arg36[%get3A] {strides = array<i32>} : memref<16xf32, #tpu.memory_space<vmem>>, vector<16xf32>,
    %get3A_8 = arith.constant 0 : index
    %get3A_9 = tpu.vector_load %arg37[%get3A_8] {strides = array<i32>} : memref<16xf32, #tpu.memory_space<vmem>>, vector<16xf32>,
    %iota3A = tpu.iota {dimensions = array<i32: 0>} : vector<16xi32>
    %mul3A_10 = arith.constant 128 : i32
    %mul3A_11 = arith.muli %add3A, %mul3A_10 : i32
    "tpu.region"() ({
      %run_scoped3A_85 = tpu.sem_alloc : memref<!tpu.dma_semaphore, #tpu.memory_space<semaphore_mem>>
      %dma_start3A_86 = tpu.memref_slice %arg2[%mul3A_11] : memref<4096xi32, #tpu.memory_space<hbm>> -> memref<128xi32, #tpu.memory_space<hbm>>
      %dma_start3A_87 = tpu.memref_slice %arg2[%mul3A_11] : memref<4096xi32, #tpu.memory_space<hbm>> -> memref<128xi32, #tpu.memory_space<hbm>>
      tpu.enqueue_dma source(%dma_start3A_87 : memref<128xi32, #tpu.memory_space<hbm>>) target(%arg16 : memref<128xi32, #tpu.memory_space<vmem>>) target_semaphore(%run_scoped3A_85 : memref<!tpu.dma_semaphore, #tpu.memory_space<semaphore_mem>>)
      %dma_wait3A_88 = tpu.memref_slice %arg2[%mul3A_11] : memref<4096xi32, #tpu.memory_space<hbm>> -> memref<128xi32, #tpu.memory_space<hbm>>
      %dma_wait3A_89 = tpu.memref_slice %arg2[%mul3A_11] : memref<4096xi32, #tpu.memory_space<hbm>> -> memref<128xi32, #tpu.memory_space<hbm>>
      tpu.wait_dma2 semaphore(%run_scoped3A_85 : memref<!tpu.dma_semaphore, #tpu.memory_space<semaphore_mem>>) src(%dma_wait3A_89 : memref<128xi32, #tpu.memory_space<hbm>>) dst(%arg16 : memref<128xi32, #tpu.memory_space<vmem>>)
      tpu.yield
    }) : () -> ()
    "tpu.region"() ({
      %run_scoped3A_85 = tpu.sem_alloc : memref<!tpu.dma_semaphore, #tpu.memory_space<semaphore_mem>>
      %dma_start3A_86 = tpu.memref_slice %arg3[%mul3A_11] : memref<4096xi32, #tpu.memory_space<hbm>> -> memref<128xi32, #tpu.memory_space<hbm>>
      %dma_start3A_87 = tpu.memref_slice %arg3[%mul3A_11] : memref<4096xi32, #tpu.memory_space<hbm>> -> memref<128xi32, #tpu.memory_space<hbm>>
      tpu.enqueue_dma source(%dma_start3A_87 : memref<128xi32, #tpu.memory_space<hbm>>) target(%arg17 : memref<128xi32, #tpu.memory_space<vmem>>) target_semaphore(%run_scoped3A_85 : memref<!tpu.dma_semaphore, #tpu.memory_space<semaphore_mem>>)
      %dma_wait3A_88 = tpu.memref_slice %arg3[%mul3A_11] : memref<4096xi32, #tpu.memory_space<hbm>> -> memref<128xi32, #tpu.memory_space<hbm>>
      %dma_wait3A_89 = tpu.memref_slice %arg3[%mul3A_11] : memref<4096xi32, #tpu.memory_space<hbm>> -> memref<128xi32, #tpu.memory_space<hbm>>
      tpu.wait_dma2 semaphore(%run_scoped3A_85 : memref<!tpu.dma_semaphore, #tpu.memory_space<semaphore_mem>>) src(%dma_wait3A_89 : memref<128xi32, #tpu.memory_space<hbm>>) dst(%arg17 : memref<128xi32, #tpu.memory_space<vmem>>)
      tpu.yield
    }) : () -> ()
    "tpu.region"() ({
      %run_scoped3A_85 = tpu.sem_alloc : memref<!tpu.dma_semaphore, #tpu.memory_space<semaphore_mem>>
      %dma_start3A_86 = tpu.memref_slice %arg4[%mul3A_11] : memref<4096xi32, #tpu.memory_space<hbm>> -> memref<128xi32, #tpu.memory_space<hbm>>
      %dma_start3A_87 = tpu.memref_slice %arg4[%mul3A_11] : memref<4096xi32, #tpu.memory_space<hbm>> -> memref<128xi32, #tpu.memory_space<hbm>>
      tpu.enqueue_dma source(%dma_start3A_87 : memref<128xi32, #tpu.memory_space<hbm>>) target(%arg18 : memref<128xi32, #tpu.memory_space<vmem>>) target_semaphore(%run_scoped3A_85 : memref<!tpu.dma_semaphore, #tpu.memory_space<semaphore_mem>>)
      %dma_wait3A_88 = tpu.memref_slice %arg4[%mul3A_11] : memref<4096xi32, #tpu.memory_space<hbm>> -> memref<128xi32, #tpu.memory_space<hbm>>
      %dma_wait3A_89 = tpu.memref_slice %arg4[%mul3A_11] : memref<4096xi32, #tpu.memory_space<hbm>> -> memref<128xi32, #tpu.memory_space<hbm>>
      tpu.wait_dma2 semaphore(%run_scoped3A_85 : memref<!tpu.dma_semaphore, #tpu.memory_space<semaphore_mem>>) src(%dma_wait3A_89 : memref<128xi32, #tpu.memory_space<hbm>>) dst(%arg18 : memref<128xi32, #tpu.memory_space<vmem>>)
      tpu.yield
    }) : () -> ()
    %dma_start3A = arith.constant 0 : i32
    %dma_start3A_12 = arith.constant 0 : i32
    %dma_start3A_13 = tpu.memref_slice %arg11[%dma_start3A, %dma_start3A_12] : memref<1000000x32xf32, #tpu.memory_space<hbm>> -> memref<1000000x32xf32, #tpu.memory_space<hbm>>
    tpu.enqueue_indirect_dma source(%dma_start3A_13 : memref<1000000x32xf32, #tpu.memory_space<hbm>>) target(%arg22 : memref<128x32xf32, #tpu.memory_space<vmem>>) offsets(%arg16 : memref<128xi32, #tpu.memory_space<vmem>>) semaphore(%arg41 : memref<!tpu.dma_semaphore, #tpu.memory_space<semaphore_mem>>)
    %dma_start3A_14 = arith.constant 0 : i32
    %dma_start3A_15 = arith.constant 0 : i32
    %dma_start3A_16 = tpu.memref_slice %arg11[%dma_start3A_14, %dma_start3A_15] : memref<1000000x32xf32, #tpu.memory_space<hbm>> -> memref<1000000x32xf32, #tpu.memory_space<hbm>>
    tpu.enqueue_indirect_dma source(%dma_start3A_16 : memref<1000000x32xf32, #tpu.memory_space<hbm>>) target(%arg23 : memref<128x32xf32, #tpu.memory_space<vmem>>) offsets(%arg18 : memref<128xi32, #tpu.memory_space<vmem>>) semaphore(%arg41 : memref<!tpu.dma_semaphore, #tpu.memory_space<semaphore_mem>>)
    %dma_start3A_17 = arith.constant 0 : i32
    %dma_start3A_18 = arith.constant 0 : i32
    %dma_start3A_19 = tpu.memref_slice %arg12[%dma_start3A_17, %dma_start3A_18] : memref<1000000x32xf32, #tpu.memory_space<hbm>> -> memref<1000000x32xf32, #tpu.memory_space<hbm>>
    tpu.enqueue_indirect_dma source(%dma_start3A_19 : memref<1000000x32xf32, #tpu.memory_space<hbm>>) target(%arg24 : memref<128x32xf32, #tpu.memory_space<vmem>>) offsets(%arg18 : memref<128xi32, #tpu.memory_space<vmem>>) semaphore(%arg41 : memref<!tpu.dma_semaphore, #tpu.memory_space<semaphore_mem>>)
    %dma_start3A_20 = arith.constant 0 : i32
    %dma_start3A_21 = arith.constant 0 : i32
    %dma_start3A_22 = tpu.memref_slice %arg12[%dma_start3A_20, %dma_start3A_21] : memref<1000000x32xf32, #tpu.memory_space<hbm>> -> memref<1000000x32xf32, #tpu.memory_space<hbm>>
    tpu.enqueue_indirect_dma source(%dma_start3A_22 : memref<1000000x32xf32, #tpu.memory_space<hbm>>) target(%arg25 : memref<128x32xf32, #tpu.memory_space<vmem>>) offsets(%arg16 : memref<128xi32, #tpu.memory_space<vmem>>) semaphore(%arg41 : memref<!tpu.dma_semaphore, #tpu.memory_space<semaphore_mem>>)
    %dma_start3A_23 = arith.constant 0 : i32
    %dma_start3A_24 = arith.constant 0 : i32
    %dma_start3A_25 = tpu.memref_slice %arg13[%dma_start3A_23, %dma_start3A_24] : memref<1000x32xf32, #tpu.memory_space<hbm>> -> memref<1000x32xf32, #tpu.memory_space<hbm>>
    tpu.enqueue_indirect_dma source(%dma_start3A_25 : memref<1000x32xf32, #tpu.memory_space<hbm>>) target(%arg26 : memref<128x32xf32, #tpu.memory_space<vmem>>) offsets(%arg17 : memref<128xi32, #tpu.memory_space<vmem>>) semaphore(%arg41 : memref<!tpu.dma_semaphore, #tpu.memory_space<semaphore_mem>>)
    %dma_start3A_26 = arith.constant 0 : i32
    %dma_start3A_27 = arith.constant 0 : i32
    %dma_start3A_28 = tpu.memref_slice %arg14[%dma_start3A_26, %dma_start3A_27] : memref<1000x32xf32, #tpu.memory_space<hbm>> -> memref<1000x32xf32, #tpu.memory_space<hbm>>
    tpu.enqueue_indirect_dma source(%dma_start3A_28 : memref<1000x32xf32, #tpu.memory_space<hbm>>) target(%arg27 : memref<128x32xf32, #tpu.memory_space<vmem>>) offsets(%arg17 : memref<128xi32, #tpu.memory_space<vmem>>) semaphore(%arg41 : memref<!tpu.dma_semaphore, #tpu.memory_space<semaphore_mem>>)
    "tpu.region"() ({
      %run_scoped3A_85 = tpu.sem_alloc : memref<!tpu.dma_semaphore, #tpu.memory_space<semaphore_mem>>
      %dma_start3A_86 = tpu.memref_slice %arg5[%mul3A_11] : memref<4096xf32, #tpu.memory_space<hbm>> -> memref<128xf32, #tpu.memory_space<hbm>>
      %dma_start3A_87 = tpu.memref_slice %arg5[%mul3A_11] : memref<4096xf32, #tpu.memory_space<hbm>> -> memref<128xf32, #tpu.memory_space<hbm>>
      tpu.enqueue_dma source(%dma_start3A_87 : memref<128xf32, #tpu.memory_space<hbm>>) target(%arg35 : memref<128xf32, #tpu.memory_space<vmem>>) target_semaphore(%run_scoped3A_85 : memref<!tpu.dma_semaphore, #tpu.memory_space<semaphore_mem>>)
      %dma_wait3A_88 = tpu.memref_slice %arg5[%mul3A_11] : memref<4096xf32, #tpu.memory_space<hbm>> -> memref<128xf32, #tpu.memory_space<hbm>>
      %dma_wait3A_89 = tpu.memref_slice %arg5[%mul3A_11] : memref<4096xf32, #tpu.memory_space<hbm>> -> memref<128xf32, #tpu.memory_space<hbm>>
      tpu.wait_dma2 semaphore(%run_scoped3A_85 : memref<!tpu.dma_semaphore, #tpu.memory_space<semaphore_mem>>) src(%dma_wait3A_89 : memref<128xf32, #tpu.memory_space<hbm>>) dst(%arg35 : memref<128xf32, #tpu.memory_space<vmem>>)
      tpu.yield
    }) : () -> ()
    %dma_wait3A = arith.constant 0 : i32
    %dma_wait3A_29 = arith.constant 0 : i32
    %dma_wait3A_30 = tpu.memref_slice %arg11[%dma_wait3A, %dma_wait3A_29] : memref<1000000x32xf32, #tpu.memory_space<hbm>> -> memref<1000000x32xf32, #tpu.memory_space<hbm>>
    tpu.wait_indirect_dma semaphore(%arg41 : memref<!tpu.dma_semaphore, #tpu.memory_space<semaphore_mem>>) src(%dma_wait3A_30 : memref<1000000x32xf32, #tpu.memory_space<hbm>>) dst(%arg22 : memref<128x32xf32, #tpu.memory_space<vmem>>)
    %dma_wait3A_31 = arith.constant 0 : i32
    %dma_wait3A_32 = arith.constant 0 : i32
    %dma_wait3A_33 = tpu.memref_slice %arg11[%dma_wait3A_31, %dma_wait3A_32] : memref<1000000x32xf32, #tpu.memory_space<hbm>> -> memref<1000000x32xf32, #tpu.memory_space<hbm>>
    tpu.wait_indirect_dma semaphore(%arg41 : memref<!tpu.dma_semaphore, #tpu.memory_space<semaphore_mem>>) src(%dma_wait3A_33 : memref<1000000x32xf32, #tpu.memory_space<hbm>>) dst(%arg23 : memref<128x32xf32, #tpu.memory_space<vmem>>)
    %dma_wait3A_34 = arith.constant 0 : i32
    %dma_wait3A_35 = arith.constant 0 : i32
    %dma_wait3A_36 = tpu.memref_slice %arg12[%dma_wait3A_34, %dma_wait3A_35] : memref<1000000x32xf32, #tpu.memory_space<hbm>> -> memref<1000000x32xf32, #tpu.memory_space<hbm>>
    tpu.wait_indirect_dma semaphore(%arg41 : memref<!tpu.dma_semaphore, #tpu.memory_space<semaphore_mem>>) src(%dma_wait3A_36 : memref<1000000x32xf32, #tpu.memory_space<hbm>>) dst(%arg24 : memref<128x32xf32, #tpu.memory_space<vmem>>)
    %dma_wait3A_37 = arith.constant 0 : i32
    %dma_wait3A_38 = arith.constant 0 : i32
    %dma_wait3A_39 = tpu.memref_slice %arg12[%dma_wait3A_37, %dma_wait3A_38] : memref<1000000x32xf32, #tpu.memory_space<hbm>> -> memref<1000000x32xf32, #tpu.memory_space<hbm>>
    tpu.wait_indirect_dma semaphore(%arg41 : memref<!tpu.dma_semaphore, #tpu.memory_space<semaphore_mem>>) src(%dma_wait3A_39 : memref<1000000x32xf32, #tpu.memory_space<hbm>>) dst(%arg25 : memref<128x32xf32, #tpu.memory_space<vmem>>)
    %dma_wait3A_40 = arith.constant 0 : i32
    %dma_wait3A_41 = arith.constant 0 : i32
    %dma_wait3A_42 = tpu.memref_slice %arg13[%dma_wait3A_40, %dma_wait3A_41] : memref<1000x32xf32, #tpu.memory_space<hbm>> -> memref<1000x32xf32, #tpu.memory_space<hbm>>
    tpu.wait_indirect_dma semaphore(%arg41 : memref<!tpu.dma_semaphore, #tpu.memory_space<semaphore_mem>>) src(%dma_wait3A_42 : memref<1000x32xf32, #tpu.memory_space<hbm>>) dst(%arg26 : memref<128x32xf32, #tpu.memory_space<vmem>>)
    %dma_wait3A_43 = arith.constant 0 : i32
    %dma_wait3A_44 = arith.constant 0 : i32
    %dma_wait3A_45 = tpu.memref_slice %arg14[%dma_wait3A_43, %dma_wait3A_44] : memref<1000x32xf32, #tpu.memory_space<hbm>> -> memref<1000x32xf32, #tpu.memory_space<hbm>>
    tpu.wait_indirect_dma semaphore(%arg41 : memref<!tpu.dma_semaphore, #tpu.memory_space<semaphore_mem>>) src(%dma_wait3A_45 : memref<1000x32xf32, #tpu.memory_space<hbm>>) dst(%arg27 : memref<128x32xf32, #tpu.memory_space<vmem>>)
    %scan3A = arith.constant 0 : i32
    %scan3A_46 = arith.constant 0 : i32
    %scan3A_47 = arith.constant 128 : i32
    %scan3A_48 = arith.addi %scan3A_46, %scan3A_47 : i32
    %scan3A_49 = arith.constant 1 : i32
    scf.for %scan3A_85 = %scan3A_46 to %scan3A_48 step %scan3A_49  : i32 {
      %get3A_86 = arith.index_cast %scan3A_85 : i32 to index
      %get3A_87 = arith.constant 0 : index
      %get3A_88 = tpu.vector_load %arg22[%get3A_86, %get3A_87] {strides = array<i32>} : memref<128x32xf32, #tpu.memory_space<vmem>>, vector<16xf32>,
      %get3A_89 = arith.index_cast %scan3A_85 : i32 to index
      %get3A_90 = arith.constant 16 : index
      %get3A_91 = tpu.vector_load %arg22[%get3A_89, %get3A_90] {strides = array<i32>} : memref<128x32xf32, #tpu.memory_space<vmem>>, vector<16xf32>,
      %get3A_92 = arith.index_cast %scan3A_85 : i32 to index
      %get3A_93 = arith.constant 0 : index
      %get3A_94 = tpu.vector_load %arg23[%get3A_92, %get3A_93] {strides = array<i32>} : memref<128x32xf32, #tpu.memory_space<vmem>>, vector<16xf32>,
      %get3A_95 = arith.index_cast %scan3A_85 : i32 to index
      %get3A_96 = arith.constant 16 : index
      %get3A_97 = tpu.vector_load %arg23[%get3A_95, %get3A_96] {strides = array<i32>} : memref<128x32xf32, #tpu.memory_space<vmem>>, vector<16xf32>,
      %get3A_98 = arith.index_cast %scan3A_85 : i32 to index
      %get3A_99 = arith.constant 0 : index
      %get3A_100 = tpu.vector_load %arg24[%get3A_98, %get3A_99] {strides = array<i32>} : memref<128x32xf32, #tpu.memory_space<vmem>>, vector<16xf32>,
      %get3A_101 = arith.index_cast %scan3A_85 : i32 to index
      %get3A_102 = arith.constant 16 : index
      %get3A_103 = tpu.vector_load %arg24[%get3A_101, %get3A_102] {strides = array<i32>} : memref<128x32xf32, #tpu.memory_space<vmem>>, vector<16xf32>,
      %get3A_104 = arith.index_cast %scan3A_85 : i32 to index
      %get3A_105 = arith.constant 0 : index
      %get3A_106 = tpu.vector_load %arg25[%get3A_104, %get3A_105] {strides = array<i32>} : memref<128x32xf32, #tpu.memory_space<vmem>>, vector<16xf32>,
      %get3A_107 = arith.index_cast %scan3A_85 : i32 to index
      %get3A_108 = arith.constant 16 : index
      %get3A_109 = tpu.vector_load %arg25[%get3A_107, %get3A_108] {strides = array<i32>} : memref<128x32xf32, #tpu.memory_space<vmem>>, vector<16xf32>,
      %get3A_110 = arith.index_cast %scan3A_85 : i32 to index
      %get3A_111 = arith.constant 0 : index
      %get3A_112 = tpu.vector_load %arg26[%get3A_110, %get3A_111] {strides = array<i32>} : memref<128x32xf32, #tpu.memory_space<vmem>>, vector<16xf32>,
      %get3A_113 = arith.index_cast %scan3A_85 : i32 to index
      %get3A_114 = arith.constant 16 : index
      %get3A_115 = tpu.vector_load %arg26[%get3A_113, %get3A_114] {strides = array<i32>} : memref<128x32xf32, #tpu.memory_space<vmem>>, vector<16xf32>,
      %get3A_116 = arith.index_cast %scan3A_85 : i32 to index
      %get3A_117 = arith.constant 0 : index
      %get3A_118 = tpu.vector_load %arg27[%get3A_116, %get3A_117] {strides = array<i32>} : memref<128x32xf32, #tpu.memory_space<vmem>>, vector<16xf32>,
      %get3A_119 = arith.index_cast %scan3A_85 : i32 to index
      %get3A_120 = arith.constant 16 : index
      %get3A_121 = tpu.vector_load %arg27[%get3A_119, %get3A_120] {strides = array<i32>} : memref<128x32xf32, #tpu.memory_space<vmem>>, vector<16xf32>,
      %mul3A_122 = arith.mulf %get3A_88, %get3A_112 : vector<16xf32>
      %mul3A_123 = arith.mulf %mul3A_122, %get3A_100 : vector<16xf32>
      %mul3A_124 = arith.mulf %get3A_91, %get3A_115 : vector<16xf32>
      %mul3A_125 = arith.mulf %mul3A_124, %get3A_103 : vector<16xf32>
      %add3A_126 = arith.addf %mul3A_123, %mul3A_125 : vector<16xf32>
      %mul3A_127 = arith.mulf %get3A_94, %get3A_118 : vector<16xf32>
      %mul3A_128 = arith.mulf %mul3A_127, %get3A_106 : vector<16xf32>
      %mul3A_129 = arith.mulf %get3A_97, %get3A_121 : vector<16xf32>
      %mul3A_130 = arith.mulf %mul3A_129, %get3A_109 : vector<16xf32>
      %add3A_131 = arith.addf %mul3A_128, %mul3A_130 : vector<16xf32>
      %add3A_132 = arith.addf %add3A_126, %add3A_131 : vector<16xf32>
      %swap3A_133 = arith.index_cast %scan3A_85 : i32 to index
      %swap3A_134 = arith.constant 0 : index
      %swap3A_135 = tpu.vector_load %arg34[%swap3A_133, %swap3A_134] {strides = array<i32>} : memref<128x16xf32, #tpu.memory_space<vmem>>, vector<16xf32>,
      tpu.vector_store %arg34[%swap3A_133, %swap3A_134], %add3A_132 {strides = array<i32>} : memref<128x16xf32, #tpu.memory_space<vmem>>, vector<16xf32>,
      %mul3A_136 = arith.mulf %get3A_88, %get3A_88 : vector<16xf32>
      %mul3A_137 = arith.mulf %get3A_91, %get3A_91 : vector<16xf32>
      %add3A_138 = arith.addf %mul3A_136, %mul3A_137 : vector<16xf32>
      %mul3A_139 = arith.mulf %get3A_94, %get3A_94 : vector<16xf32>
      %mul3A_140 = arith.mulf %get3A_97, %get3A_97 : vector<16xf32>
      %add3A_141 = arith.addf %mul3A_139, %mul3A_140 : vector<16xf32>
      %add3A_142 = arith.addf %add3A_138, %add3A_141 : vector<16xf32>
      %mul3A_143 = arith.mulf %get3A_100, %get3A_100 : vector<16xf32>
      %mul3A_144 = arith.mulf %get3A_103, %get3A_103 : vector<16xf32>
      %add3A_145 = arith.addf %mul3A_143, %mul3A_144 : vector<16xf32>
      %add3A_146 = arith.addf %add3A_142, %add3A_145 : vector<16xf32>
      %mul3A_147 = arith.mulf %get3A_106, %get3A_106 : vector<16xf32>
      %mul3A_148 = arith.mulf %get3A_109, %get3A_109 : vector<16xf32>
      %add3A_149 = arith.addf %mul3A_147, %mul3A_148 : vector<16xf32>
      %add3A_150 = arith.addf %add3A_146, %add3A_149 : vector<16xf32>
      %mul3A_151 = arith.mulf %get3A_112, %get3A_112 : vector<16xf32>
      %mul3A_152 = arith.mulf %get3A_115, %get3A_115 : vector<16xf32>
      %add3A_153 = arith.addf %mul3A_151, %mul3A_152 : vector<16xf32>
      %add3A_154 = arith.addf %add3A_150, %add3A_153 : vector<16xf32>
      %mul3A_155 = arith.mulf %get3A_118, %get3A_118 : vector<16xf32>
      %mul3A_156 = arith.mulf %get3A_121, %get3A_121 : vector<16xf32>
      %add3A_157 = arith.addf %mul3A_155, %mul3A_156 : vector<16xf32>
      %add3A_158 = arith.addf %add3A_154, %add3A_157 : vector<16xf32>
      %get3A_159 = arith.constant 0 : index
      %get3A_160 = tpu.vector_load %arg40[%get3A_159] {strides = array<i32>} : memref<16xf32, #tpu.memory_space<vmem>>, vector<16xf32>,
      %add3A_161 = arith.addf %get3A_160, %add3A_158 : vector<16xf32>
      %swap3A_162 = arith.constant 0 : index
      %swap3A_163 = tpu.vector_load %arg40[%swap3A_162] {strides = array<i32>} : memref<16xf32, #tpu.memory_space<vmem>>, vector<16xf32>,
      tpu.vector_store %arg40[%swap3A_162], %add3A_161 {strides = array<i32>} : memref<16xf32, #tpu.memory_space<vmem>>, vector<16xf32>,
    }
    %scan3A_50 = arith.constant 128 : i32
    %scan3A_51 = arith.constant 0 : i32
    %scan3A_52 = arith.constant 0 : i32
    %scan3A_53 = arith.constant 8 : i32
    %scan3A_54 = arith.addi %scan3A_52, %scan3A_53 : i32
    %scan3A_55 = arith.constant 1 : i32
    scf.for %scan3A_85 = %scan3A_52 to %scan3A_54 step %scan3A_55  : i32 {
      %mul3A_86 = arith.constant 16 : i32
      %mul3A_87 = arith.muli %scan3A_85, %mul3A_86 : i32
      %add3A_88 = vector.broadcast %mul3A_87 : i32 to vector<16xi32>
      %add3A_89 = arith.addi %iota3A, %add3A_88 : vector<16xi32>
      %broadcast_in_dim3A_90 = arith.constant 0 : i32
      %broadcast_in_dim3A_91 = vector.broadcast %broadcast_in_dim3A_90 : i32 to vector<16xi32>
      %gather3A = tpu.vector_load_idx %arg34[%add3A_89, %broadcast_in_dim3A_91] : memref<128x16xf32, #tpu.memory_space<vmem>>[vector<16xi32>, vector<16xi32>], vector<16xf32>,
      %broadcast_in_dim3A_92 = arith.constant 1 : i32
      %broadcast_in_dim3A_93 = vector.broadcast %broadcast_in_dim3A_92 : i32 to vector<16xi32>
      %gather3A_94 = tpu.vector_load_idx %arg34[%add3A_89, %broadcast_in_dim3A_93] : memref<128x16xf32, #tpu.memory_space<vmem>>[vector<16xi32>, vector<16xi32>], vector<16xf32>,
      %add3A_95 = arith.addf %gather3A, %gather3A_94 : vector<16xf32>
      %broadcast_in_dim3A_96 = arith.constant 2 : i32
      %broadcast_in_dim3A_97 = vector.broadcast %broadcast_in_dim3A_96 : i32 to vector<16xi32>
      %gather3A_98 = tpu.vector_load_idx %arg34[%add3A_89, %broadcast_in_dim3A_97] : memref<128x16xf32, #tpu.memory_space<vmem>>[vector<16xi32>, vector<16xi32>], vector<16xf32>,
      %add3A_99 = arith.addf %add3A_95, %gather3A_98 : vector<16xf32>
      %broadcast_in_dim3A_100 = arith.constant 3 : i32
      %broadcast_in_dim3A_101 = vector.broadcast %broadcast_in_dim3A_100 : i32 to vector<16xi32>
      %gather3A_102 = tpu.vector_load_idx %arg34[%add3A_89, %broadcast_in_dim3A_101] : memref<128x16xf32, #tpu.memory_space<vmem>>[vector<16xi32>, vector<16xi32>], vector<16xf32>,
      %add3A_103 = arith.addf %add3A_99, %gather3A_102 : vector<16xf32>
      %broadcast_in_dim3A_104 = arith.constant 4 : i32
      %broadcast_in_dim3A_105 = vector.broadcast %broadcast_in_dim3A_104 : i32 to vector<16xi32>
      %gather3A_106 = tpu.vector_load_idx %arg34[%add3A_89, %broadcast_in_dim3A_105] : memref<128x16xf32, #tpu.memory_space<vmem>>[vector<16xi32>, vector<16xi32>], vector<16xf32>,
      %add3A_107 = arith.addf %add3A_103, %gather3A_106 : vector<16xf32>
      %broadcast_in_dim3A_108 = arith.constant 5 : i32
      %broadcast_in_dim3A_109 = vector.broadcast %broadcast_in_dim3A_108 : i32 to vector<16xi32>
      %gather3A_110 = tpu.vector_load_idx %arg34[%add3A_89, %broadcast_in_dim3A_109] : memref<128x16xf32, #tpu.memory_space<vmem>>[vector<16xi32>, vector<16xi32>], vector<16xf32>,
      %add3A_111 = arith.addf %add3A_107, %gather3A_110 : vector<16xf32>
      %broadcast_in_dim3A_112 = arith.constant 6 : i32
      %broadcast_in_dim3A_113 = vector.broadcast %broadcast_in_dim3A_112 : i32 to vector<16xi32>
      %gather3A_114 = tpu.vector_load_idx %arg34[%add3A_89, %broadcast_in_dim3A_113] : memref<128x16xf32, #tpu.memory_space<vmem>>[vector<16xi32>, vector<16xi32>], vector<16xf32>,
      %add3A_115 = arith.addf %add3A_111, %gather3A_114 : vector<16xf32>
      %broadcast_in_dim3A_116 = arith.constant 7 : i32
      %broadcast_in_dim3A_117 = vector.broadcast %broadcast_in_dim3A_116 : i32 to vector<16xi32>
      %gather3A_118 = tpu.vector_load_idx %arg34[%add3A_89, %broadcast_in_dim3A_117] : memref<128x16xf32, #tpu.memory_space<vmem>>[vector<16xi32>, vector<16xi32>], vector<16xf32>,
      %add3A_119 = arith.addf %add3A_115, %gather3A_118 : vector<16xf32>
      %broadcast_in_dim3A_120 = arith.constant 8 : i32
      %broadcast_in_dim3A_121 = vector.broadcast %broadcast_in_dim3A_120 : i32 to vector<16xi32>
      %gather3A_122 = tpu.vector_load_idx %arg34[%add3A_89, %broadcast_in_dim3A_121] : memref<128x16xf32, #tpu.memory_space<vmem>>[vector<16xi32>, vector<16xi32>], vector<16xf32>,
      %add3A_123 = arith.addf %add3A_119, %gather3A_122 : vector<16xf32>
      %broadcast_in_dim3A_124 = arith.constant 9 : i32
      %broadcast_in_dim3A_125 = vector.broadcast %broadcast_in_dim3A_124 : i32 to vector<16xi32>
      %gather3A_126 = tpu.vector_load_idx %arg34[%add3A_89, %broadcast_in_dim3A_125] : memref<128x16xf32, #tpu.memory_space<vmem>>[vector<16xi32>, vector<16xi32>], vector<16xf32>,
      %add3A_127 = arith.addf %add3A_123, %gather3A_126 : vector<16xf32>
      %broadcast_in_dim3A_128 = arith.constant 10 : i32
      %broadcast_in_dim3A_129 = vector.broadcast %broadcast_in_dim3A_128 : i32 to vector<16xi32>
      %gather3A_130 = tpu.vector_load_idx %arg34[%add3A_89, %broadcast_in_dim3A_129] : memref<128x16xf32, #tpu.memory_space<vmem>>[vector<16xi32>, vector<16xi32>], vector<16xf32>,
      %add3A_131 = arith.addf %add3A_127, %gather3A_130 : vector<16xf32>
      %broadcast_in_dim3A_132 = arith.constant 11 : i32
      %broadcast_in_dim3A_133 = vector.broadcast %broadcast_in_dim3A_132 : i32 to vector<16xi32>
      %gather3A_134 = tpu.vector_load_idx %arg34[%add3A_89, %broadcast_in_dim3A_133] : memref<128x16xf32, #tpu.memory_space<vmem>>[vector<16xi32>, vector<16xi32>], vector<16xf32>,
      %add3A_135 = arith.addf %add3A_131, %gather3A_134 : vector<16xf32>
      %broadcast_in_dim3A_136 = arith.constant 12 : i32
      %broadcast_in_dim3A_137 = vector.broadcast %broadcast_in_dim3A_136 : i32 to vector<16xi32>
      %gather3A_138 = tpu.vector_load_idx %arg34[%add3A_89, %broadcast_in_dim3A_137] : memref<128x16xf32, #tpu.memory_space<vmem>>[vector<16xi32>, vector<16xi32>], vector<16xf32>,
      %add3A_139 = arith.addf %add3A_135, %gather3A_138 : vector<16xf32>
      %broadcast_in_dim3A_140 = arith.constant 13 : i32
      %broadcast_in_dim3A_141 = vector.broadcast %broadcast_in_dim3A_140 : i32 to vector<16xi32>
      %gather3A_142 = tpu.vector_load_idx %arg34[%add3A_89, %broadcast_in_dim3A_141] : memref<128x16xf32, #tpu.memory_space<vmem>>[vector<16xi32>, vector<16xi32>], vector<16xf32>,
      %add3A_143 = arith.addf %add3A_139, %gather3A_142 : vector<16xf32>
      %broadcast_in_dim3A_144 = arith.constant 14 : i32
      %broadcast_in_dim3A_145 = vector.broadcast %broadcast_in_dim3A_144 : i32 to vector<16xi32>
      %gather3A_146 = tpu.vector_load_idx %arg34[%add3A_89, %broadcast_in_dim3A_145] : memref<128x16xf32, #tpu.memory_space<vmem>>[vector<16xi32>, vector<16xi32>], vector<16xf32>,
      %add3A_147 = arith.addf %add3A_143, %gather3A_146 : vector<16xf32>
      %broadcast_in_dim3A_148 = arith.constant 15 : i32
      %broadcast_in_dim3A_149 = vector.broadcast %broadcast_in_dim3A_148 : i32 to vector<16xi32>
      %gather3A_150 = tpu.vector_load_idx %arg34[%add3A_89, %broadcast_in_dim3A_149] : memref<128x16xf32, #tpu.memory_space<vmem>>[vector<16xi32>, vector<16xi32>], vector<16xf32>,
      %add3A_151 = arith.addf %add3A_147, %gather3A_150 : vector<16xf32>
      %mul3A_152 = arith.mulf %add3A_151, %get3A_7 : vector<16xf32>
      %add3A_153 = arith.addf %mul3A_152, %get3A_9 : vector<16xf32>
      %neg3A = arith.constant 0.000000e+00 : f32
      %neg3A_154 = vector.broadcast %neg3A : f32 to vector<16xf32>
      %neg3A_155 = arith.subf %neg3A_154, %add3A_153 : vector<16xf32>
      %exp3A = math.exp %neg3A_155 : vector<16xf32>
      %add3A_156 = arith.constant 1.000000e+00 : f32
      %add3A_157 = vector.broadcast %add3A_156 : f32 to vector<16xf32>
      %add3A_158 = arith.addf %add3A_157, %exp3A : vector<16xf32>
      %div3A = arith.constant 1.000000e+00 : f32
      %div3A_159 = vector.broadcast %div3A : f32 to vector<16xf32>
      %div3A_160 = arith.divf %div3A_159, %add3A_158 : vector<16xf32>
      %mul3A_161 = arith.constant 16 : i32
      %mul3A_162 = arith.muli %scan3A_85, %mul3A_161 : i32
      %get3A_163 = arith.index_cast %mul3A_162 : i32 to index
      %get3A_164 = tpu.vector_load %arg35[%get3A_163] {strides = array<i32>} : memref<128xf32, #tpu.memory_space<vmem>>, vector<16xf32>,
      %sub3A = arith.subf %div3A_160, %get3A_164 : vector<16xf32>
      %get3A_165 = arith.constant 0 : index
      %get3A_166 = tpu.vector_load %arg38[%get3A_165] {strides = array<i32>} : memref<16xf32, #tpu.memory_space<vmem>>, vector<16xf32>,
      %mul3A_167 = arith.mulf %sub3A, %sub3A : vector<16xf32>
      %add3A_168 = arith.addf %get3A_166, %mul3A_167 : vector<16xf32>
      %swap3A_169 = arith.constant 0 : index
      %swap3A_170 = tpu.vector_load %arg38[%swap3A_169] {strides = array<i32>} : memref<16xf32, #tpu.memory_space<vmem>>, vector<16xf32>,
      tpu.vector_store %arg38[%swap3A_169], %add3A_168 {strides = array<i32>} : memref<16xf32, #tpu.memory_space<vmem>>, vector<16xf32>,
    }
    %scan3A_56 = arith.constant 8 : i32
    %mul3A_57 = arith.constant 2560 : i32
    %mul3A_58 = arith.muli %add3A, %mul3A_57 : i32
    "tpu.region"() ({
      %run_scoped3A_85 = tpu.sem_alloc : memref<!tpu.dma_semaphore, #tpu.memory_space<semaphore_mem>>
      %dma_start3A_86 = tpu.memref_slice %arg6[%mul3A_58] : memref<81920xi32, #tpu.memory_space<hbm>> -> memref<128xi32, #tpu.memory_space<hbm>>
      %dma_start3A_87 = tpu.memref_slice %arg6[%mul3A_58] : memref<81920xi32, #tpu.memory_space<hbm>> -> memref<128xi32, #tpu.memory_space<hbm>>
      tpu.enqueue_dma source(%dma_start3A_87 : memref<128xi32, #tpu.memory_space<hbm>>) target(%arg16 : memref<128xi32, #tpu.memory_space<vmem>>) target_semaphore(%run_scoped3A_85 : memref<!tpu.dma_semaphore, #tpu.memory_space<semaphore_mem>>)
      %dma_wait3A_88 = tpu.memref_slice %arg6[%mul3A_58] : memref<81920xi32, #tpu.memory_space<hbm>> -> memref<128xi32, #tpu.memory_space<hbm>>
      %dma_wait3A_89 = tpu.memref_slice %arg6[%mul3A_58] : memref<81920xi32, #tpu.memory_space<hbm>> -> memref<128xi32, #tpu.memory_space<hbm>>
      tpu.wait_dma2 semaphore(%run_scoped3A_85 : memref<!tpu.dma_semaphore, #tpu.memory_space<semaphore_mem>>) src(%dma_wait3A_89 : memref<128xi32, #tpu.memory_space<hbm>>) dst(%arg16 : memref<128xi32, #tpu.memory_space<vmem>>)
      tpu.yield
    }) : () -> ()
    "tpu.region"() ({
      %run_scoped3A_85 = tpu.sem_alloc : memref<!tpu.dma_semaphore, #tpu.memory_space<semaphore_mem>>
      %dma_start3A_86 = tpu.memref_slice %arg7[%mul3A_58] : memref<81920xi32, #tpu.memory_space<hbm>> -> memref<128xi32, #tpu.memory_space<hbm>>
      %dma_start3A_87 = tpu.memref_slice %arg7[%mul3A_58] : memref<81920xi32, #tpu.memory_space<hbm>> -> memref<128xi32, #tpu.memory_space<hbm>>
      tpu.enqueue_dma source(%dma_start3A_87 : memref<128xi32, #tpu.memory_space<hbm>>) target(%arg17 : memref<128xi32, #tpu.memory_space<vmem>>) target_semaphore(%run_scoped3A_85 : memref<!tpu.dma_semaphore, #tpu.memory_space<semaphore_mem>>)
      %dma_wait3A_88 = tpu.memref_slice %arg7[%mul3A_58] : memref<81920xi32, #tpu.memory_space<hbm>> -> memref<128xi32, #tpu.memory_space<hbm>>
      %dma_wait3A_89 = tpu.memref_slice %arg7[%mul3A_58] : memref<81920xi32, #tpu.memory_space<hbm>> -> memref<128xi32, #tpu.memory_space<hbm>>
      tpu.wait_dma2 semaphore(%run_scoped3A_85 : memref<!tpu.dma_semaphore, #tpu.memory_space<semaphore_mem>>) src(%dma_wait3A_89 : memref<128xi32, #tpu.memory_space<hbm>>) dst(%arg17 : memref<128xi32, #tpu.memory_space<vmem>>)
      tpu.yield
    }) : () -> ()
    "tpu.region"() ({
      %run_scoped3A_85 = tpu.sem_alloc : memref<!tpu.dma_semaphore, #tpu.memory_space<semaphore_mem>>
      %dma_start3A_86 = tpu.memref_slice %arg8[%mul3A_58] : memref<81920xi32, #tpu.memory_space<hbm>> -> memref<128xi32, #tpu.memory_space<hbm>>
      %dma_start3A_87 = tpu.memref_slice %arg8[%mul3A_58] : memref<81920xi32, #tpu.memory_space<hbm>> -> memref<128xi32, #tpu.memory_space<hbm>>
      tpu.enqueue_dma source(%dma_start3A_87 : memref<128xi32, #tpu.memory_space<hbm>>) target(%arg18 : memref<128xi32, #tpu.memory_space<vmem>>) target_semaphore(%run_scoped3A_85 : memref<!tpu.dma_semaphore, #tpu.memory_space<semaphore_mem>>)
      %dma_wait3A_88 = tpu.memref_slice %arg8[%mul3A_58] : memref<81920xi32, #tpu.memory_space<hbm>> -> memref<128xi32, #tpu.memory_space<hbm>>
      %dma_wait3A_89 = tpu.memref_slice %arg8[%mul3A_58] : memref<81920xi32, #tpu.memory_space<hbm>> -> memref<128xi32, #tpu.memory_space<hbm>>
      tpu.wait_dma2 semaphore(%run_scoped3A_85 : memref<!tpu.dma_semaphore, #tpu.memory_space<semaphore_mem>>) src(%dma_wait3A_89 : memref<128xi32, #tpu.memory_space<hbm>>) dst(%arg18 : memref<128xi32, #tpu.memory_space<vmem>>)
      tpu.yield
    }) : () -> ()
    %dma_start3A_59 = arith.constant 0 : i32
    %dma_start3A_60 = arith.constant 0 : i32
    %dma_start3A_61 = tpu.memref_slice %arg11[%dma_start3A_59, %dma_start3A_60] : memref<1000000x32xf32, #tpu.memory_space<hbm>> -> memref<1000000x32xf32, #tpu.memory_space<hbm>>
    tpu.enqueue_indirect_dma source(%dma_start3A_61 : memref<1000000x32xf32, #tpu.memory_space<hbm>>) target(%arg22 : memref<128x32xf32, #tpu.memory_space<vmem>>) offsets(%arg16 : memref<128xi32, #tpu.memory_space<vmem>>) semaphore(%arg41 : memref<!tpu.dma_semaphore, #tpu.memory_space<semaphore_mem>>)
    %dma_start3A_62 = arith.constant 0 : i32
    %dma_start3A_63 = arith.constant 0 : i32
    %dma_start3A_64 = tpu.memref_slice %arg11[%dma_start3A_62, %dma_start3A_63] : memref<1000000x32xf32, #tpu.memory_space<hbm>> -> memref<1000000x32xf32, #tpu.memory_space<hbm>>
    tpu.enqueue_indirect_dma source(%dma_start3A_64 : memref<1000000x32xf32, #tpu.memory_space<hbm>>) target(%arg23 : memref<128x32xf32, #tpu.memory_space<vmem>>) offsets(%arg18 : memref<128xi32, #tpu.memory_space<vmem>>) semaphore(%arg41 : memref<!tpu.dma_semaphore, #tpu.memory_space<semaphore_mem>>)
    %dma_start3A_65 = arith.constant 0 : i32
    %dma_start3A_66 = arith.constant 0 : i32
    %dma_start3A_67 = tpu.memref_slice %arg12[%dma_start3A_65, %dma_start3A_66] : memref<1000000x32xf32, #tpu.memory_space<hbm>> -> memref<1000000x32xf32, #tpu.memory_space<hbm>>
    tpu.enqueue_indirect_dma source(%dma_start3A_67 : memref<1000000x32xf32, #tpu.memory_space<hbm>>) target(%arg24 : memref<128x32xf32, #tpu.memory_space<vmem>>) offsets(%arg18 : memref<128xi32, #tpu.memory_space<vmem>>) semaphore(%arg41 : memref<!tpu.dma_semaphore, #tpu.memory_space<semaphore_mem>>)
    %dma_start3A_68 = arith.constant 0 : i32
    %dma_start3A_69 = arith.constant 0 : i32
    %dma_start3A_70 = tpu.memref_slice %arg12[%dma_start3A_68, %dma_start3A_69] : memref<1000000x32xf32, #tpu.memory_space<hbm>> -> memref<1000000x32xf32, #tpu.memory_space<hbm>>
    tpu.enqueue_indirect_dma source(%dma_start3A_70 : memref<1000000x32xf32, #tpu.memory_space<hbm>>) target(%arg25 : memref<128x32xf32, #tpu.memory_space<vmem>>) offsets(%arg16 : memref<128xi32, #tpu.memory_space<vmem>>) semaphore(%arg41 : memref<!tpu.dma_semaphore, #tpu.memory_space<semaphore_mem>>)
    %dma_start3A_71 = arith.constant 0 : i32
    %dma_start3A_72 = arith.constant 0 : i32
    %dma_start3A_73 = tpu.memref_slice %arg13[%dma_start3A_71, %dma_start3A_72] : memref<1000x32xf32, #tpu.memory_space<hbm>> -> memref<1000x32xf32, #tpu.memory_space<hbm>>
    tpu.enqueue_indirect_dma source(%dma_start3A_73 : memref<1000x32xf32, #tpu.memory_space<hbm>>) target(%arg26 : memref<128x32xf32, #tpu.memory_space<vmem>>) offsets(%arg17 : memref<128xi32, #tpu.memory_space<vmem>>) semaphore(%arg41 : memref<!tpu.dma_semaphore, #tpu.memory_space<semaphore_mem>>)
    %dma_start3A_74 = arith.constant 0 : i32
    %dma_start3A_75 = arith.constant 0 : i32
    %dma_start3A_76 = tpu.memref_slice %arg14[%dma_start3A_74, %dma_start3A_75] : memref<1000x32xf32, #tpu.memory_space<hbm>> -> memref<1000x32xf32, #tpu.memory_space<hbm>>
    tpu.enqueue_indirect_dma source(%dma_start3A_76 : memref<1000x32xf32, #tpu.memory_space<hbm>>) target(%arg27 : memref<128x32xf32, #tpu.memory_space<vmem>>) offsets(%arg17 : memref<128xi32, #tpu.memory_space<vmem>>) semaphore(%arg41 : memref<!tpu.dma_semaphore, #tpu.memory_space<semaphore_mem>>)
    %scan3A_77 = arith.constant 0 : i32
    %scan3A_78 = arith.constant 0 : i32
    %scan3A_79 = arith.constant 10 : i32
    %scan3A_80 = arith.addi %scan3A_78, %scan3A_79 : i32
    %scan3A_81 = arith.constant 1 : i32
    scf.for %scan3A_85 = %scan3A_78 to %scan3A_80 step %scan3A_81  : i32 {
      %mul3A_86 = arith.constant 2 : i32
      %mul3A_87 = arith.muli %scan3A_85, %mul3A_86 : i32
      %add3A_88 = arith.constant 1 : i32
      %add3A_89 = arith.addi %mul3A_87, %add3A_88 : i32
      %mul3A_90 = arith.constant 128 : i32
      %mul3A_91 = arith.muli %add3A_89, %mul3A_90 : i32
      %add3A_92 = arith.addi %mul3A_58, %mul3A_91 : i32
      "tpu.region"() ({
        %run_scoped3A_175 = tpu.sem_alloc : memref<!tpu.dma_semaphore, #tpu.memory_space<semaphore_mem>>
        %dma_start3A_176 = tpu.memref_slice %arg6[%add3A_92] : memref<81920xi32, #tpu.memory_space<hbm>> -> memref<128xi32, #tpu.memory_space<hbm>>
        %dma_start3A_177 = tpu.memref_slice %arg6[%add3A_92] : memref<81920xi32, #tpu.memory_space<hbm>> -> memref<128xi32, #tpu.memory_space<hbm>>
        tpu.enqueue_dma source(%dma_start3A_177 : memref<128xi32, #tpu.memory_space<hbm>>) target(%arg19 : memref<128xi32, #tpu.memory_space<vmem>>) target_semaphore(%run_scoped3A_175 : memref<!tpu.dma_semaphore, #tpu.memory_space<semaphore_mem>>)
        %dma_wait3A_178 = tpu.memref_slice %arg6[%add3A_92] : memref<81920xi32, #tpu.memory_space<hbm>> -> memref<128xi32, #tpu.memory_space<hbm>>
        %dma_wait3A_179 = tpu.memref_slice %arg6[%add3A_92] : memref<81920xi32, #tpu.memory_space<hbm>> -> memref<128xi32, #tpu.memory_space<hbm>>
        tpu.wait_dma2 semaphore(%run_scoped3A_175 : memref<!tpu.dma_semaphore, #tpu.memory_space<semaphore_mem>>) src(%dma_wait3A_179 : memref<128xi32, #tpu.memory_space<hbm>>) dst(%arg19 : memref<128xi32, #tpu.memory_space<vmem>>)
        tpu.yield
      }) : () -> ()
      "tpu.region"() ({
        %run_scoped3A_175 = tpu.sem_alloc : memref<!tpu.dma_semaphore, #tpu.memory_space<semaphore_mem>>
        %dma_start3A_176 = tpu.memref_slice %arg7[%add3A_92] : memref<81920xi32, #tpu.memory_space<hbm>> -> memref<128xi32, #tpu.memory_space<hbm>>
        %dma_start3A_177 = tpu.memref_slice %arg7[%add3A_92] : memref<81920xi32, #tpu.memory_space<hbm>> -> memref<128xi32, #tpu.memory_space<hbm>>
        tpu.enqueue_dma source(%dma_start3A_177 : memref<128xi32, #tpu.memory_space<hbm>>) target(%arg20 : memref<128xi32, #tpu.memory_space<vmem>>) target_semaphore(%run_scoped3A_175 : memref<!tpu.dma_semaphore, #tpu.memory_space<semaphore_mem>>)
        %dma_wait3A_178 = tpu.memref_slice %arg7[%add3A_92] : memref<81920xi32, #tpu.memory_space<hbm>> -> memref<128xi32, #tpu.memory_space<hbm>>
        %dma_wait3A_179 = tpu.memref_slice %arg7[%add3A_92] : memref<81920xi32, #tpu.memory_space<hbm>> -> memref<128xi32, #tpu.memory_space<hbm>>
        tpu.wait_dma2 semaphore(%run_scoped3A_175 : memref<!tpu.dma_semaphore, #tpu.memory_space<semaphore_mem>>) src(%dma_wait3A_179 : memref<128xi32, #tpu.memory_space<hbm>>) dst(%arg20 : memref<128xi32, #tpu.memory_space<vmem>>)
        tpu.yield
      }) : () -> ()
      "tpu.region"() ({
        %run_scoped3A_175 = tpu.sem_alloc : memref<!tpu.dma_semaphore, #tpu.memory_space<semaphore_mem>>
        %dma_start3A_176 = tpu.memref_slice %arg8[%add3A_92] : memref<81920xi32, #tpu.memory_space<hbm>> -> memref<128xi32, #tpu.memory_space<hbm>>
        %dma_start3A_177 = tpu.memref_slice %arg8[%add3A_92] : memref<81920xi32, #tpu.memory_space<hbm>> -> memref<128xi32, #tpu.memory_space<hbm>>
        tpu.enqueue_dma source(%dma_start3A_177 : memref<128xi32, #tpu.memory_space<hbm>>) target(%arg21 : memref<128xi32, #tpu.memory_space<vmem>>) target_semaphore(%run_scoped3A_175 : memref<!tpu.dma_semaphore, #tpu.memory_space<semaphore_mem>>)
        %dma_wait3A_178 = tpu.memref_slice %arg8[%add3A_92] : memref<81920xi32, #tpu.memory_space<hbm>> -> memref<128xi32, #tpu.memory_space<hbm>>
        %dma_wait3A_179 = tpu.memref_slice %arg8[%add3A_92] : memref<81920xi32, #tpu.memory_space<hbm>> -> memref<128xi32, #tpu.memory_space<hbm>>
        tpu.wait_dma2 semaphore(%run_scoped3A_175 : memref<!tpu.dma_semaphore, #tpu.memory_space<semaphore_mem>>) src(%dma_wait3A_179 : memref<128xi32, #tpu.memory_space<hbm>>) dst(%arg21 : memref<128xi32, #tpu.memory_space<vmem>>)
        tpu.yield
      }) : () -> ()
      %dma_start3A_93 = arith.constant 0 : i32
      %dma_start3A_94 = arith.constant 0 : i32
      %dma_start3A_95 = tpu.memref_slice %arg11[%dma_start3A_93, %dma_start3A_94] : memref<1000000x32xf32, #tpu.memory_space<hbm>> -> memref<1000000x32xf32, #tpu.memory_space<hbm>>
      tpu.enqueue_indirect_dma source(%dma_start3A_95 : memref<1000000x32xf32, #tpu.memory_space<hbm>>) target(%arg28 : memref<128x32xf32, #tpu.memory_space<vmem>>) offsets(%arg19 : memref<128xi32, #tpu.memory_space<vmem>>) semaphore(%arg42 : memref<!tpu.dma_semaphore, #tpu.memory_space<semaphore_mem>>)
      %dma_start3A_96 = arith.constant 0 : i32
      %dma_start3A_97 = arith.constant 0 : i32
      %dma_start3A_98 = tpu.memref_slice %arg11[%dma_start3A_96, %dma_start3A_97] : memref<1000000x32xf32, #tpu.memory_space<hbm>> -> memref<1000000x32xf32, #tpu.memory_space<hbm>>
      tpu.enqueue_indirect_dma source(%dma_start3A_98 : memref<1000000x32xf32, #tpu.memory_space<hbm>>) target(%arg29 : memref<128x32xf32, #tpu.memory_space<vmem>>) offsets(%arg21 : memref<128xi32, #tpu.memory_space<vmem>>) semaphore(%arg42 : memref<!tpu.dma_semaphore, #tpu.memory_space<semaphore_mem>>)
      %dma_start3A_99 = arith.constant 0 : i32
      %dma_start3A_100 = arith.constant 0 : i32
      %dma_start3A_101 = tpu.memref_slice %arg12[%dma_start3A_99, %dma_start3A_100] : memref<1000000x32xf32, #tpu.memory_space<hbm>> -> memref<1000000x32xf32, #tpu.memory_space<hbm>>
      tpu.enqueue_indirect_dma source(%dma_start3A_101 : memref<1000000x32xf32, #tpu.memory_space<hbm>>) target(%arg30 : memref<128x32xf32, #tpu.memory_space<vmem>>) offsets(%arg21 : memref<128xi32, #tpu.memory_space<vmem>>) semaphore(%arg42 : memref<!tpu.dma_semaphore, #tpu.memory_space<semaphore_mem>>)
      %dma_start3A_102 = arith.constant 0 : i32
      %dma_start3A_103 = arith.constant 0 : i32
      %dma_start3A_104 = tpu.memref_slice %arg12[%dma_start3A_102, %dma_start3A_103] : memref<1000000x32xf32, #tpu.memory_space<hbm>> -> memref<1000000x32xf32, #tpu.memory_space<hbm>>
      tpu.enqueue_indirect_dma source(%dma_start3A_104 : memref<1000000x32xf32, #tpu.memory_space<hbm>>) target(%arg31 : memref<128x32xf32, #tpu.memory_space<vmem>>) offsets(%arg19 : memref<128xi32, #tpu.memory_space<vmem>>) semaphore(%arg42 : memref<!tpu.dma_semaphore, #tpu.memory_space<semaphore_mem>>)
      %dma_start3A_105 = arith.constant 0 : i32
      %dma_start3A_106 = arith.constant 0 : i32
      %dma_start3A_107 = tpu.memref_slice %arg13[%dma_start3A_105, %dma_start3A_106] : memref<1000x32xf32, #tpu.memory_space<hbm>> -> memref<1000x32xf32, #tpu.memory_space<hbm>>
      tpu.enqueue_indirect_dma source(%dma_start3A_107 : memref<1000x32xf32, #tpu.memory_space<hbm>>) target(%arg32 : memref<128x32xf32, #tpu.memory_space<vmem>>) offsets(%arg20 : memref<128xi32, #tpu.memory_space<vmem>>) semaphore(%arg42 : memref<!tpu.dma_semaphore, #tpu.memory_space<semaphore_mem>>)
      %dma_start3A_108 = arith.constant 0 : i32
      %dma_start3A_109 = arith.constant 0 : i32
      %dma_start3A_110 = tpu.memref_slice %arg14[%dma_start3A_108, %dma_start3A_109] : memref<1000x32xf32, #tpu.memory_space<hbm>> -> memref<1000x32xf32, #tpu.memory_space<hbm>>
      tpu.enqueue_indirect_dma source(%dma_start3A_110 : memref<1000x32xf32, #tpu.memory_space<hbm>>) target(%arg33 : memref<128x32xf32, #tpu.memory_space<vmem>>) offsets(%arg20 : memref<128xi32, #tpu.memory_space<vmem>>) semaphore(%arg42 : memref<!tpu.dma_semaphore, #tpu.memory_space<semaphore_mem>>)
      %dma_wait3A_111 = arith.constant 0 : i32
      %dma_wait3A_112 = arith.constant 0 : i32
      %dma_wait3A_113 = tpu.memref_slice %arg11[%dma_wait3A_111, %dma_wait3A_112] : memref<1000000x32xf32, #tpu.memory_space<hbm>> -> memref<1000000x32xf32, #tpu.memory_space<hbm>>
      tpu.wait_indirect_dma semaphore(%arg41 : memref<!tpu.dma_semaphore, #tpu.memory_space<semaphore_mem>>) src(%dma_wait3A_113 : memref<1000000x32xf32, #tpu.memory_space<hbm>>) dst(%arg22 : memref<128x32xf32, #tpu.memory_space<vmem>>)
      %dma_wait3A_114 = arith.constant 0 : i32
      %dma_wait3A_115 = arith.constant 0 : i32
      %dma_wait3A_116 = tpu.memref_slice %arg11[%dma_wait3A_114, %dma_wait3A_115] : memref<1000000x32xf32, #tpu.memory_space<hbm>> -> memref<1000000x32xf32, #tpu.memory_space<hbm>>
      tpu.wait_indirect_dma semaphore(%arg41 : memref<!tpu.dma_semaphore, #tpu.memory_space<semaphore_mem>>) src(%dma_wait3A_116 : memref<1000000x32xf32, #tpu.memory_space<hbm>>) dst(%arg23 : memref<128x32xf32, #tpu.memory_space<vmem>>)
      %dma_wait3A_117 = arith.constant 0 : i32
      %dma_wait3A_118 = arith.constant 0 : i32
      %dma_wait3A_119 = tpu.memref_slice %arg12[%dma_wait3A_117, %dma_wait3A_118] : memref<1000000x32xf32, #tpu.memory_space<hbm>> -> memref<1000000x32xf32, #tpu.memory_space<hbm>>
      tpu.wait_indirect_dma semaphore(%arg41 : memref<!tpu.dma_semaphore, #tpu.memory_space<semaphore_mem>>) src(%dma_wait3A_119 : memref<1000000x32xf32, #tpu.memory_space<hbm>>) dst(%arg24 : memref<128x32xf32, #tpu.memory_space<vmem>>)
      %dma_wait3A_120 = arith.constant 0 : i32
      %dma_wait3A_121 = arith.constant 0 : i32
      %dma_wait3A_122 = tpu.memref_slice %arg12[%dma_wait3A_120, %dma_wait3A_121] : memref<1000000x32xf32, #tpu.memory_space<hbm>> -> memref<1000000x32xf32, #tpu.memory_space<hbm>>
      tpu.wait_indirect_dma semaphore(%arg41 : memref<!tpu.dma_semaphore, #tpu.memory_space<semaphore_mem>>) src(%dma_wait3A_122 : memref<1000000x32xf32, #tpu.memory_space<hbm>>) dst(%arg25 : memref<128x32xf32, #tpu.memory_space<vmem>>)
      %dma_wait3A_123 = arith.constant 0 : i32
      %dma_wait3A_124 = arith.constant 0 : i32
      %dma_wait3A_125 = tpu.memref_slice %arg13[%dma_wait3A_123, %dma_wait3A_124] : memref<1000x32xf32, #tpu.memory_space<hbm>> -> memref<1000x32xf32, #tpu.memory_space<hbm>>
      tpu.wait_indirect_dma semaphore(%arg41 : memref<!tpu.dma_semaphore, #tpu.memory_space<semaphore_mem>>) src(%dma_wait3A_125 : memref<1000x32xf32, #tpu.memory_space<hbm>>) dst(%arg26 : memref<128x32xf32, #tpu.memory_space<vmem>>)
      %dma_wait3A_126 = arith.constant 0 : i32
      %dma_wait3A_127 = arith.constant 0 : i32
      %dma_wait3A_128 = tpu.memref_slice %arg14[%dma_wait3A_126, %dma_wait3A_127] : memref<1000x32xf32, #tpu.memory_space<hbm>> -> memref<1000x32xf32, #tpu.memory_space<hbm>>
      tpu.wait_indirect_dma semaphore(%arg41 : memref<!tpu.dma_semaphore, #tpu.memory_space<semaphore_mem>>) src(%dma_wait3A_128 : memref<1000x32xf32, #tpu.memory_space<hbm>>) dst(%arg27 : memref<128x32xf32, #tpu.memory_space<vmem>>)
      %scan3A_129 = arith.constant 0 : i32
      %scan3A_130 = arith.constant 0 : i32
      %scan3A_131 = arith.constant 128 : i32
      %scan3A_132 = arith.addi %scan3A_130, %scan3A_131 : i32
      %scan3A_133 = arith.constant 1 : i32
      scf.for %scan3A_175 = %scan3A_130 to %scan3A_132 step %scan3A_133  : i32 {
        %get3A_176 = arith.index_cast %scan3A_175 : i32 to index
        %get3A_177 = arith.constant 0 : index
        %get3A_178 = tpu.vector_load %arg22[%get3A_176, %get3A_177] {strides = array<i32>} : memref<128x32xf32, #tpu.memory_space<vmem>>, vector<16xf32>,
        %get3A_179 = arith.index_cast %scan3A_175 : i32 to index
        %get3A_180 = arith.constant 16 : index
        %get3A_181 = tpu.vector_load %arg22[%get3A_179, %get3A_180] {strides = array<i32>} : memref<128x32xf32, #tpu.memory_space<vmem>>, vector<16xf32>,
        %get3A_182 = arith.index_cast %scan3A_175 : i32 to index
        %get3A_183 = arith.constant 0 : index
        %get3A_184 = tpu.vector_load %arg23[%get3A_182, %get3A_183] {strides = array<i32>} : memref<128x32xf32, #tpu.memory_space<vmem>>, vector<16xf32>,
        %get3A_185 = arith.index_cast %scan3A_175 : i32 to index
        %get3A_186 = arith.constant 16 : index
        %get3A_187 = tpu.vector_load %arg23[%get3A_185, %get3A_186] {strides = array<i32>} : memref<128x32xf32, #tpu.memory_space<vmem>>, vector<16xf32>,
        %get3A_188 = arith.index_cast %scan3A_175 : i32 to index
        %get3A_189 = arith.constant 0 : index
        %get3A_190 = tpu.vector_load %arg24[%get3A_188, %get3A_189] {strides = array<i32>} : memref<128x32xf32, #tpu.memory_space<vmem>>, vector<16xf32>,
        %get3A_191 = arith.index_cast %scan3A_175 : i32 to index
        %get3A_192 = arith.constant 16 : index
        %get3A_193 = tpu.vector_load %arg24[%get3A_191, %get3A_192] {strides = array<i32>} : memref<128x32xf32, #tpu.memory_space<vmem>>, vector<16xf32>,
        %get3A_194 = arith.index_cast %scan3A_175 : i32 to index
        %get3A_195 = arith.constant 0 : index
        %get3A_196 = tpu.vector_load %arg25[%get3A_194, %get3A_195] {strides = array<i32>} : memref<128x32xf32, #tpu.memory_space<vmem>>, vector<16xf32>,
        %get3A_197 = arith.index_cast %scan3A_175 : i32 to index
        %get3A_198 = arith.constant 16 : index
        %get3A_199 = tpu.vector_load %arg25[%get3A_197, %get3A_198] {strides = array<i32>} : memref<128x32xf32, #tpu.memory_space<vmem>>, vector<16xf32>,
        %get3A_200 = arith.index_cast %scan3A_175 : i32 to index
        %get3A_201 = arith.constant 0 : index
        %get3A_202 = tpu.vector_load %arg26[%get3A_200, %get3A_201] {strides = array<i32>} : memref<128x32xf32, #tpu.memory_space<vmem>>, vector<16xf32>,
        %get3A_203 = arith.index_cast %scan3A_175 : i32 to index
        %get3A_204 = arith.constant 16 : index
        %get3A_205 = tpu.vector_load %arg26[%get3A_203, %get3A_204] {strides = array<i32>} : memref<128x32xf32, #tpu.memory_space<vmem>>, vector<16xf32>,
        %get3A_206 = arith.index_cast %scan3A_175 : i32 to index
        %get3A_207 = arith.constant 0 : index
        %get3A_208 = tpu.vector_load %arg27[%get3A_206, %get3A_207] {strides = array<i32>} : memref<128x32xf32, #tpu.memory_space<vmem>>, vector<16xf32>,
        %get3A_209 = arith.index_cast %scan3A_175 : i32 to index
        %get3A_210 = arith.constant 16 : index
        %get3A_211 = tpu.vector_load %arg27[%get3A_209, %get3A_210] {strides = array<i32>} : memref<128x32xf32, #tpu.memory_space<vmem>>, vector<16xf32>,
        %mul3A_212 = arith.mulf %get3A_178, %get3A_202 : vector<16xf32>
        %mul3A_213 = arith.mulf %mul3A_212, %get3A_190 : vector<16xf32>
        %mul3A_214 = arith.mulf %get3A_181, %get3A_205 : vector<16xf32>
        %mul3A_215 = arith.mulf %mul3A_214, %get3A_193 : vector<16xf32>
        %add3A_216 = arith.addf %mul3A_213, %mul3A_215 : vector<16xf32>
        %mul3A_217 = arith.mulf %get3A_184, %get3A_208 : vector<16xf32>
        %mul3A_218 = arith.mulf %mul3A_217, %get3A_196 : vector<16xf32>
        %mul3A_219 = arith.mulf %get3A_187, %get3A_211 : vector<16xf32>
        %mul3A_220 = arith.mulf %mul3A_219, %get3A_199 : vector<16xf32>
        %add3A_221 = arith.addf %mul3A_218, %mul3A_220 : vector<16xf32>
        %add3A_222 = arith.addf %add3A_216, %add3A_221 : vector<16xf32>
        %swap3A_223 = arith.index_cast %scan3A_175 : i32 to index
        %swap3A_224 = arith.constant 0 : index
        %swap3A_225 = tpu.vector_load %arg34[%swap3A_223, %swap3A_224] {strides = array<i32>} : memref<128x16xf32, #tpu.memory_space<vmem>>, vector<16xf32>,
        tpu.vector_store %arg34[%swap3A_223, %swap3A_224], %add3A_222 {strides = array<i32>} : memref<128x16xf32, #tpu.memory_space<vmem>>, vector<16xf32>,
      }
      %scan3A_134 = arith.constant 128 : i32
      %scan3A_135 = arith.constant 0 : i32
      %scan3A_136 = arith.constant 0 : i32
      %scan3A_137 = arith.constant 8 : i32
      %scan3A_138 = arith.addi %scan3A_136, %scan3A_137 : i32
      %scan3A_139 = arith.constant 1 : i32
      scf.for %scan3A_175 = %scan3A_136 to %scan3A_138 step %scan3A_139  : i32 {
        %mul3A_176 = arith.constant 16 : i32
        %mul3A_177 = arith.muli %scan3A_175, %mul3A_176 : i32
        %add3A_178 = vector.broadcast %mul3A_177 : i32 to vector<16xi32>
        %add3A_179 = arith.addi %iota3A, %add3A_178 : vector<16xi32>
        %broadcast_in_dim3A_180 = arith.constant 0 : i32
        %broadcast_in_dim3A_181 = vector.broadcast %broadcast_in_dim3A_180 : i32 to vector<16xi32>
        %gather3A = tpu.vector_load_idx %arg34[%add3A_179, %broadcast_in_dim3A_181] : memref<128x16xf32, #tpu.memory_space<vmem>>[vector<16xi32>, vector<16xi32>], vector<16xf32>,
        %broadcast_in_dim3A_182 = arith.constant 1 : i32
        %broadcast_in_dim3A_183 = vector.broadcast %broadcast_in_dim3A_182 : i32 to vector<16xi32>
        %gather3A_184 = tpu.vector_load_idx %arg34[%add3A_179, %broadcast_in_dim3A_183] : memref<128x16xf32, #tpu.memory_space<vmem>>[vector<16xi32>, vector<16xi32>], vector<16xf32>,
        %add3A_185 = arith.addf %gather3A, %gather3A_184 : vector<16xf32>
        %broadcast_in_dim3A_186 = arith.constant 2 : i32
        %broadcast_in_dim3A_187 = vector.broadcast %broadcast_in_dim3A_186 : i32 to vector<16xi32>
        %gather3A_188 = tpu.vector_load_idx %arg34[%add3A_179, %broadcast_in_dim3A_187] : memref<128x16xf32, #tpu.memory_space<vmem>>[vector<16xi32>, vector<16xi32>], vector<16xf32>,
        %add3A_189 = arith.addf %add3A_185, %gather3A_188 : vector<16xf32>
        %broadcast_in_dim3A_190 = arith.constant 3 : i32
        %broadcast_in_dim3A_191 = vector.broadcast %broadcast_in_dim3A_190 : i32 to vector<16xi32>
        %gather3A_192 = tpu.vector_load_idx %arg34[%add3A_179, %broadcast_in_dim3A_191] : memref<128x16xf32, #tpu.memory_space<vmem>>[vector<16xi32>, vector<16xi32>], vector<16xf32>,
        %add3A_193 = arith.addf %add3A_189, %gather3A_192 : vector<16xf32>
        %broadcast_in_dim3A_194 = arith.constant 4 : i32
        %broadcast_in_dim3A_195 = vector.broadcast %broadcast_in_dim3A_194 : i32 to vector<16xi32>
        %gather3A_196 = tpu.vector_load_idx %arg34[%add3A_179, %broadcast_in_dim3A_195] : memref<128x16xf32, #tpu.memory_space<vmem>>[vector<16xi32>, vector<16xi32>], vector<16xf32>,
        %add3A_197 = arith.addf %add3A_193, %gather3A_196 : vector<16xf32>
        %broadcast_in_dim3A_198 = arith.constant 5 : i32
        %broadcast_in_dim3A_199 = vector.broadcast %broadcast_in_dim3A_198 : i32 to vector<16xi32>
        %gather3A_200 = tpu.vector_load_idx %arg34[%add3A_179, %broadcast_in_dim3A_199] : memref<128x16xf32, #tpu.memory_space<vmem>>[vector<16xi32>, vector<16xi32>], vector<16xf32>,
        %add3A_201 = arith.addf %add3A_197, %gather3A_200 : vector<16xf32>
        %broadcast_in_dim3A_202 = arith.constant 6 : i32
        %broadcast_in_dim3A_203 = vector.broadcast %broadcast_in_dim3A_202 : i32 to vector<16xi32>
        %gather3A_204 = tpu.vector_load_idx %arg34[%add3A_179, %broadcast_in_dim3A_203] : memref<128x16xf32, #tpu.memory_space<vmem>>[vector<16xi32>, vector<16xi32>], vector<16xf32>,
        %add3A_205 = arith.addf %add3A_201, %gather3A_204 : vector<16xf32>
        %broadcast_in_dim3A_206 = arith.constant 7 : i32
        %broadcast_in_dim3A_207 = vector.broadcast %broadcast_in_dim3A_206 : i32 to vector<16xi32>
        %gather3A_208 = tpu.vector_load_idx %arg34[%add3A_179, %broadcast_in_dim3A_207] : memref<128x16xf32, #tpu.memory_space<vmem>>[vector<16xi32>, vector<16xi32>], vector<16xf32>,
        %add3A_209 = arith.addf %add3A_205, %gather3A_208 : vector<16xf32>
        %broadcast_in_dim3A_210 = arith.constant 8 : i32
        %broadcast_in_dim3A_211 = vector.broadcast %broadcast_in_dim3A_210 : i32 to vector<16xi32>
        %gather3A_212 = tpu.vector_load_idx %arg34[%add3A_179, %broadcast_in_dim3A_211] : memref<128x16xf32, #tpu.memory_space<vmem>>[vector<16xi32>, vector<16xi32>], vector<16xf32>,
        %add3A_213 = arith.addf %add3A_209, %gather3A_212 : vector<16xf32>
        %broadcast_in_dim3A_214 = arith.constant 9 : i32
        %broadcast_in_dim3A_215 = vector.broadcast %broadcast_in_dim3A_214 : i32 to vector<16xi32>
        %gather3A_216 = tpu.vector_load_idx %arg34[%add3A_179, %broadcast_in_dim3A_215] : memref<128x16xf32, #tpu.memory_space<vmem>>[vector<16xi32>, vector<16xi32>], vector<16xf32>,
        %add3A_217 = arith.addf %add3A_213, %gather3A_216 : vector<16xf32>
        %broadcast_in_dim3A_218 = arith.constant 10 : i32
        %broadcast_in_dim3A_219 = vector.broadcast %broadcast_in_dim3A_218 : i32 to vector<16xi32>
        %gather3A_220 = tpu.vector_load_idx %arg34[%add3A_179, %broadcast_in_dim3A_219] : memref<128x16xf32, #tpu.memory_space<vmem>>[vector<16xi32>, vector<16xi32>], vector<16xf32>,
        %add3A_221 = arith.addf %add3A_217, %gather3A_220 : vector<16xf32>
        %broadcast_in_dim3A_222 = arith.constant 11 : i32
        %broadcast_in_dim3A_223 = vector.broadcast %broadcast_in_dim3A_222 : i32 to vector<16xi32>
        %gather3A_224 = tpu.vector_load_idx %arg34[%add3A_179, %broadcast_in_dim3A_223] : memref<128x16xf32, #tpu.memory_space<vmem>>[vector<16xi32>, vector<16xi32>], vector<16xf32>,
        %add3A_225 = arith.addf %add3A_221, %gather3A_224 : vector<16xf32>
        %broadcast_in_dim3A_226 = arith.constant 12 : i32
        %broadcast_in_dim3A_227 = vector.broadcast %broadcast_in_dim3A_226 : i32 to vector<16xi32>
        %gather3A_228 = tpu.vector_load_idx %arg34[%add3A_179, %broadcast_in_dim3A_227] : memref<128x16xf32, #tpu.memory_space<vmem>>[vector<16xi32>, vector<16xi32>], vector<16xf32>,
        %add3A_229 = arith.addf %add3A_225, %gather3A_228 : vector<16xf32>
        %broadcast_in_dim3A_230 = arith.constant 13 : i32
        %broadcast_in_dim3A_231 = vector.broadcast %broadcast_in_dim3A_230 : i32 to vector<16xi32>
        %gather3A_232 = tpu.vector_load_idx %arg34[%add3A_179, %broadcast_in_dim3A_231] : memref<128x16xf32, #tpu.memory_space<vmem>>[vector<16xi32>, vector<16xi32>], vector<16xf32>,
        %add3A_233 = arith.addf %add3A_229, %gather3A_232 : vector<16xf32>
        %broadcast_in_dim3A_234 = arith.constant 14 : i32
        %broadcast_in_dim3A_235 = vector.broadcast %broadcast_in_dim3A_234 : i32 to vector<16xi32>
        %gather3A_236 = tpu.vector_load_idx %arg34[%add3A_179, %broadcast_in_dim3A_235] : memref<128x16xf32, #tpu.memory_space<vmem>>[vector<16xi32>, vector<16xi32>], vector<16xf32>,
        %add3A_237 = arith.addf %add3A_233, %gather3A_236 : vector<16xf32>
        %broadcast_in_dim3A_238 = arith.constant 15 : i32
        %broadcast_in_dim3A_239 = vector.broadcast %broadcast_in_dim3A_238 : i32 to vector<16xi32>
        %gather3A_240 = tpu.vector_load_idx %arg34[%add3A_179, %broadcast_in_dim3A_239] : memref<128x16xf32, #tpu.memory_space<vmem>>[vector<16xi32>, vector<16xi32>], vector<16xf32>,
        %add3A_241 = arith.addf %add3A_237, %gather3A_240 : vector<16xf32>
        %mul3A_242 = arith.mulf %add3A_241, %get3A_7 : vector<16xf32>
        %add3A_243 = arith.addf %mul3A_242, %get3A_9 : vector<16xf32>
        %neg3A = arith.constant 0.000000e+00 : f32
        %neg3A_244 = vector.broadcast %neg3A : f32 to vector<16xf32>
        %neg3A_245 = arith.subf %neg3A_244, %add3A_243 : vector<16xf32>
        %exp3A = math.exp %neg3A_245 : vector<16xf32>
        %add3A_246 = arith.constant 1.000000e+00 : f32
        %add3A_247 = vector.broadcast %add3A_246 : f32 to vector<16xf32>
        %add3A_248 = arith.addf %add3A_247, %exp3A : vector<16xf32>
        %div3A = arith.constant 1.000000e+00 : f32
        %div3A_249 = vector.broadcast %div3A : f32 to vector<16xf32>
        %div3A_250 = arith.divf %div3A_249, %add3A_248 : vector<16xf32>
        %get3A_251 = arith.constant 0 : index
        %get3A_252 = tpu.vector_load %arg39[%get3A_251] {strides = array<i32>} : memref<16xf32, #tpu.memory_space<vmem>>, vector<16xf32>,
        %mul3A_253 = arith.mulf %div3A_250, %div3A_250 : vector<16xf32>
        %add3A_254 = arith.addf %get3A_252, %mul3A_253 : vector<16xf32>
        %swap3A_255 = arith.constant 0 : index
        %swap3A_256 = tpu.vector_load %arg39[%swap3A_255] {strides = array<i32>} : memref<16xf32, #tpu.memory_space<vmem>>, vector<16xf32>,
        tpu.vector_store %arg39[%swap3A_255], %add3A_254 {strides = array<i32>} : memref<16xf32, #tpu.memory_space<vmem>>, vector<16xf32>,
      }
      %scan3A_140 = arith.constant 8 : i32
      %add3A_141 = arith.constant 2 : i32
      %add3A_142 = arith.addi %mul3A_87, %add3A_141 : i32
      %lt3A = arith.constant 20 : i32
      %lt3A_143 = arith.cmpi slt, %add3A_142, %lt3A : i32
      %convert_element_type3A = arith.extui %lt3A_143 : i1 to i32
      %cond3A = arith.constant 0 : i32
      %cond3A_144 = arith.cmpi ne, %convert_element_type3A, %cond3A : i32
      scf.if %cond3A_144 {
        %add3A_175 = arith.constant 2 : i32
        %add3A_176 = arith.addi %mul3A_87, %add3A_175 : i32
        %mul3A_177 = arith.constant 128 : i32
        %mul3A_178 = arith.muli %add3A_176, %mul3A_177 : i32
        %add3A_179 = arith.addi %mul3A_58, %mul3A_178 : i32
        "tpu.region"() ({
          %run_scoped3A_198 = tpu.sem_alloc : memref<!tpu.dma_semaphore, #tpu.memory_space<semaphore_mem>>
          %dma_start3A_199 = tpu.memref_slice %arg6[%add3A_179] : memref<81920xi32, #tpu.memory_space<hbm>> -> memref<128xi32, #tpu.memory_space<hbm>>
          %dma_start3A_200 = tpu.memref_slice %arg6[%add3A_179] : memref<81920xi32, #tpu.memory_space<hbm>> -> memref<128xi32, #tpu.memory_space<hbm>>
          tpu.enqueue_dma source(%dma_start3A_200 : memref<128xi32, #tpu.memory_space<hbm>>) target(%arg16 : memref<128xi32, #tpu.memory_space<vmem>>) target_semaphore(%run_scoped3A_198 : memref<!tpu.dma_semaphore, #tpu.memory_space<semaphore_mem>>)
          %dma_wait3A_201 = tpu.memref_slice %arg6[%add3A_179] : memref<81920xi32, #tpu.memory_space<hbm>> -> memref<128xi32, #tpu.memory_space<hbm>>
          %dma_wait3A_202 = tpu.memref_slice %arg6[%add3A_179] : memref<81920xi32, #tpu.memory_space<hbm>> -> memref<128xi32, #tpu.memory_space<hbm>>
          tpu.wait_dma2 semaphore(%run_scoped3A_198 : memref<!tpu.dma_semaphore, #tpu.memory_space<semaphore_mem>>) src(%dma_wait3A_202 : memref<128xi32, #tpu.memory_space<hbm>>) dst(%arg16 : memref<128xi32, #tpu.memory_space<vmem>>)
          tpu.yield
        }) : () -> ()
        "tpu.region"() ({
          %run_scoped3A_198 = tpu.sem_alloc : memref<!tpu.dma_semaphore, #tpu.memory_space<semaphore_mem>>
          %dma_start3A_199 = tpu.memref_slice %arg7[%add3A_179] : memref<81920xi32, #tpu.memory_space<hbm>> -> memref<128xi32, #tpu.memory_space<hbm>>
          %dma_start3A_200 = tpu.memref_slice %arg7[%add3A_179] : memref<81920xi32, #tpu.memory_space<hbm>> -> memref<128xi32, #tpu.memory_space<hbm>>
          tpu.enqueue_dma source(%dma_start3A_200 : memref<128xi32, #tpu.memory_space<hbm>>) target(%arg17 : memref<128xi32, #tpu.memory_space<vmem>>) target_semaphore(%run_scoped3A_198 : memref<!tpu.dma_semaphore, #tpu.memory_space<semaphore_mem>>)
          %dma_wait3A_201 = tpu.memref_slice %arg7[%add3A_179] : memref<81920xi32, #tpu.memory_space<hbm>> -> memref<128xi32, #tpu.memory_space<hbm>>
          %dma_wait3A_202 = tpu.memref_slice %arg7[%add3A_179] : memref<81920xi32, #tpu.memory_space<hbm>> -> memref<128xi32, #tpu.memory_space<hbm>>
          tpu.wait_dma2 semaphore(%run_scoped3A_198 : memref<!tpu.dma_semaphore, #tpu.memory_space<semaphore_mem>>) src(%dma_wait3A_202 : memref<128xi32, #tpu.memory_space<hbm>>) dst(%arg17 : memref<128xi32, #tpu.memory_space<vmem>>)
          tpu.yield
        }) : () -> ()
        "tpu.region"() ({
          %run_scoped3A_198 = tpu.sem_alloc : memref<!tpu.dma_semaphore, #tpu.memory_space<semaphore_mem>>
          %dma_start3A_199 = tpu.memref_slice %arg8[%add3A_179] : memref<81920xi32, #tpu.memory_space<hbm>> -> memref<128xi32, #tpu.memory_space<hbm>>
          %dma_start3A_200 = tpu.memref_slice %arg8[%add3A_179] : memref<81920xi32, #tpu.memory_space<hbm>> -> memref<128xi32, #tpu.memory_space<hbm>>
          tpu.enqueue_dma source(%dma_start3A_200 : memref<128xi32, #tpu.memory_space<hbm>>) target(%arg18 : memref<128xi32, #tpu.memory_space<vmem>>) target_semaphore(%run_scoped3A_198 : memref<!tpu.dma_semaphore, #tpu.memory_space<semaphore_mem>>)
          %dma_wait3A_201 = tpu.memref_slice %arg8[%add3A_179] : memref<81920xi32, #tpu.memory_space<hbm>> -> memref<128xi32, #tpu.memory_space<hbm>>
          %dma_wait3A_202 = tpu.memref_slice %arg8[%add3A_179] : memref<81920xi32, #tpu.memory_space<hbm>> -> memref<128xi32, #tpu.memory_space<hbm>>
          tpu.wait_dma2 semaphore(%run_scoped3A_198 : memref<!tpu.dma_semaphore, #tpu.memory_space<semaphore_mem>>) src(%dma_wait3A_202 : memref<128xi32, #tpu.memory_space<hbm>>) dst(%arg18 : memref<128xi32, #tpu.memory_space<vmem>>)
          tpu.yield
        }) : () -> ()
        %dma_start3A_180 = arith.constant 0 : i32
        %dma_start3A_181 = arith.constant 0 : i32
        %dma_start3A_182 = tpu.memref_slice %arg11[%dma_start3A_180, %dma_start3A_181] : memref<1000000x32xf32, #tpu.memory_space<hbm>> -> memref<1000000x32xf32, #tpu.memory_space<hbm>>
        tpu.enqueue_indirect_dma source(%dma_start3A_182 : memref<1000000x32xf32, #tpu.memory_space<hbm>>) target(%arg22 : memref<128x32xf32, #tpu.memory_space<vmem>>) offsets(%arg16 : memref<128xi32, #tpu.memory_space<vmem>>) semaphore(%arg41 : memref<!tpu.dma_semaphore, #tpu.memory_space<semaphore_mem>>)
        %dma_start3A_183 = arith.constant 0 : i32
        %dma_start3A_184 = arith.constant 0 : i32
        %dma_start3A_185 = tpu.memref_slice %arg11[%dma_start3A_183, %dma_start3A_184] : memref<1000000x32xf32, #tpu.memory_space<hbm>> -> memref<1000000x32xf32, #tpu.memory_space<hbm>>
        tpu.enqueue_indirect_dma source(%dma_start3A_185 : memref<1000000x32xf32, #tpu.memory_space<hbm>>) target(%arg23 : memref<128x32xf32, #tpu.memory_space<vmem>>) offsets(%arg18 : memref<128xi32, #tpu.memory_space<vmem>>) semaphore(%arg41 : memref<!tpu.dma_semaphore, #tpu.memory_space<semaphore_mem>>)
        %dma_start3A_186 = arith.constant 0 : i32
        %dma_start3A_187 = arith.constant 0 : i32
        %dma_start3A_188 = tpu.memref_slice %arg12[%dma_start3A_186, %dma_start3A_187] : memref<1000000x32xf32, #tpu.memory_space<hbm>> -> memref<1000000x32xf32, #tpu.memory_space<hbm>>
        tpu.enqueue_indirect_dma source(%dma_start3A_188 : memref<1000000x32xf32, #tpu.memory_space<hbm>>) target(%arg24 : memref<128x32xf32, #tpu.memory_space<vmem>>) offsets(%arg18 : memref<128xi32, #tpu.memory_space<vmem>>) semaphore(%arg41 : memref<!tpu.dma_semaphore, #tpu.memory_space<semaphore_mem>>)
        %dma_start3A_189 = arith.constant 0 : i32
        %dma_start3A_190 = arith.constant 0 : i32
        %dma_start3A_191 = tpu.memref_slice %arg12[%dma_start3A_189, %dma_start3A_190] : memref<1000000x32xf32, #tpu.memory_space<hbm>> -> memref<1000000x32xf32, #tpu.memory_space<hbm>>
        tpu.enqueue_indirect_dma source(%dma_start3A_191 : memref<1000000x32xf32, #tpu.memory_space<hbm>>) target(%arg25 : memref<128x32xf32, #tpu.memory_space<vmem>>) offsets(%arg16 : memref<128xi32, #tpu.memory_space<vmem>>) semaphore(%arg41 : memref<!tpu.dma_semaphore, #tpu.memory_space<semaphore_mem>>)
        %dma_start3A_192 = arith.constant 0 : i32
        %dma_start3A_193 = arith.constant 0 : i32
        %dma_start3A_194 = tpu.memref_slice %arg13[%dma_start3A_192, %dma_start3A_193] : memref<1000x32xf32, #tpu.memory_space<hbm>> -> memref<1000x32xf32, #tpu.memory_space<hbm>>
        tpu.enqueue_indirect_dma source(%dma_start3A_194 : memref<1000x32xf32, #tpu.memory_space<hbm>>) target(%arg26 : memref<128x32xf32, #tpu.memory_space<vmem>>) offsets(%arg17 : memref<128xi32, #tpu.memory_space<vmem>>) semaphore(%arg41 : memref<!tpu.dma_semaphore, #tpu.memory_space<semaphore_mem>>)
        %dma_start3A_195 = arith.constant 0 : i32
        %dma_start3A_196 = arith.constant 0 : i32
        %dma_start3A_197 = tpu.memref_slice %arg14[%dma_start3A_195, %dma_start3A_196] : memref<1000x32xf32, #tpu.memory_space<hbm>> -> memref<1000x32xf32, #tpu.memory_space<hbm>>
        tpu.enqueue_indirect_dma source(%dma_start3A_197 : memref<1000x32xf32, #tpu.memory_space<hbm>>) target(%arg27 : memref<128x32xf32, #tpu.memory_space<vmem>>) offsets(%arg17 : memref<128xi32, #tpu.memory_space<vmem>>) semaphore(%arg41 : memref<!tpu.dma_semaphore, #tpu.memory_space<semaphore_mem>>)
      } else {
      }
      %dma_wait3A_145 = arith.constant 0 : i32
      %dma_wait3A_146 = arith.constant 0 : i32
      %dma_wait3A_147 = tpu.memref_slice %arg11[%dma_wait3A_145, %dma_wait3A_146] : memref<1000000x32xf32, #tpu.memory_space<hbm>> -> memref<1000000x32xf32, #tpu.memory_space<hbm>>
      tpu.wait_indirect_dma semaphore(%arg42 : memref<!tpu.dma_semaphore, #tpu.memory_space<semaphore_mem>>) src(%dma_wait3A_147 : memref<1000000x32xf32, #tpu.memory_space<hbm>>) dst(%arg28 : memref<128x32xf32, #tpu.memory_space<vmem>>)
      %dma_wait3A_148 = arith.constant 0 : i32
      %dma_wait3A_149 = arith.constant 0 : i32
      %dma_wait3A_150 = tpu.memref_slice %arg11[%dma_wait3A_148, %dma_wait3A_149] : memref<1000000x32xf32, #tpu.memory_space<hbm>> -> memref<1000000x32xf32, #tpu.memory_space<hbm>>
      tpu.wait_indirect_dma semaphore(%arg42 : memref<!tpu.dma_semaphore, #tpu.memory_space<semaphore_mem>>) src(%dma_wait3A_150 : memref<1000000x32xf32, #tpu.memory_space<hbm>>) dst(%arg29 : memref<128x32xf32, #tpu.memory_space<vmem>>)
      %dma_wait3A_151 = arith.constant 0 : i32
      %dma_wait3A_152 = arith.constant 0 : i32
      %dma_wait3A_153 = tpu.memref_slice %arg12[%dma_wait3A_151, %dma_wait3A_152] : memref<1000000x32xf32, #tpu.memory_space<hbm>> -> memref<1000000x32xf32, #tpu.memory_space<hbm>>
      tpu.wait_indirect_dma semaphore(%arg42 : memref<!tpu.dma_semaphore, #tpu.memory_space<semaphore_mem>>) src(%dma_wait3A_153 : memref<1000000x32xf32, #tpu.memory_space<hbm>>) dst(%arg30 : memref<128x32xf32, #tpu.memory_space<vmem>>)
      %dma_wait3A_154 = arith.constant 0 : i32
      %dma_wait3A_155 = arith.constant 0 : i32
      %dma_wait3A_156 = tpu.memref_slice %arg12[%dma_wait3A_154, %dma_wait3A_155] : memref<1000000x32xf32, #tpu.memory_space<hbm>> -> memref<1000000x32xf32, #tpu.memory_space<hbm>>
      tpu.wait_indirect_dma semaphore(%arg42 : memref<!tpu.dma_semaphore, #tpu.memory_space<semaphore_mem>>) src(%dma_wait3A_156 : memref<1000000x32xf32, #tpu.memory_space<hbm>>) dst(%arg31 : memref<128x32xf32, #tpu.memory_space<vmem>>)
      %dma_wait3A_157 = arith.constant 0 : i32
      %dma_wait3A_158 = arith.constant 0 : i32
      %dma_wait3A_159 = tpu.memref_slice %arg13[%dma_wait3A_157, %dma_wait3A_158] : memref<1000x32xf32, #tpu.memory_space<hbm>> -> memref<1000x32xf32, #tpu.memory_space<hbm>>
      tpu.wait_indirect_dma semaphore(%arg42 : memref<!tpu.dma_semaphore, #tpu.memory_space<semaphore_mem>>) src(%dma_wait3A_159 : memref<1000x32xf32, #tpu.memory_space<hbm>>) dst(%arg32 : memref<128x32xf32, #tpu.memory_space<vmem>>)
      %dma_wait3A_160 = arith.constant 0 : i32
      %dma_wait3A_161 = arith.constant 0 : i32
      %dma_wait3A_162 = tpu.memref_slice %arg14[%dma_wait3A_160, %dma_wait3A_161] : memref<1000x32xf32, #tpu.memory_space<hbm>> -> memref<1000x32xf32, #tpu.memory_space<hbm>>
      tpu.wait_indirect_dma semaphore(%arg42 : memref<!tpu.dma_semaphore, #tpu.memory_space<semaphore_mem>>) src(%dma_wait3A_162 : memref<1000x32xf32, #tpu.memory_space<hbm>>) dst(%arg33 : memref<128x32xf32, #tpu.memory_space<vmem>>)
      %scan3A_163 = arith.constant 0 : i32
      %scan3A_164 = arith.constant 0 : i32
      %scan3A_165 = arith.constant 128 : i32
      %scan3A_166 = arith.addi %scan3A_164, %scan3A_165 : i32
      %scan3A_167 = arith.constant 1 : i32
      scf.for %scan3A_175 = %scan3A_164 to %scan3A_166 step %scan3A_167  : i32 {
        %get3A_176 = arith.index_cast %scan3A_175 : i32 to index
        %get3A_177 = arith.constant 0 : index
        %get3A_178 = tpu.vector_load %arg28[%get3A_176, %get3A_177] {strides = array<i32>} : memref<128x32xf32, #tpu.memory_space<vmem>>, vector<16xf32>,
        %get3A_179 = arith.index_cast %scan3A_175 : i32 to index
        %get3A_180 = arith.constant 16 : index
        %get3A_181 = tpu.vector_load %arg28[%get3A_179, %get3A_180] {strides = array<i32>} : memref<128x32xf32, #tpu.memory_space<vmem>>, vector<16xf32>,
        %get3A_182 = arith.index_cast %scan3A_175 : i32 to index
        %get3A_183 = arith.constant 0 : index
        %get3A_184 = tpu.vector_load %arg29[%get3A_182, %get3A_183] {strides = array<i32>} : memref<128x32xf32, #tpu.memory_space<vmem>>, vector<16xf32>,
        %get3A_185 = arith.index_cast %scan3A_175 : i32 to index
        %get3A_186 = arith.constant 16 : index
        %get3A_187 = tpu.vector_load %arg29[%get3A_185, %get3A_186] {strides = array<i32>} : memref<128x32xf32, #tpu.memory_space<vmem>>, vector<16xf32>,
        %get3A_188 = arith.index_cast %scan3A_175 : i32 to index
        %get3A_189 = arith.constant 0 : index
        %get3A_190 = tpu.vector_load %arg30[%get3A_188, %get3A_189] {strides = array<i32>} : memref<128x32xf32, #tpu.memory_space<vmem>>, vector<16xf32>,
        %get3A_191 = arith.index_cast %scan3A_175 : i32 to index
        %get3A_192 = arith.constant 16 : index
        %get3A_193 = tpu.vector_load %arg30[%get3A_191, %get3A_192] {strides = array<i32>} : memref<128x32xf32, #tpu.memory_space<vmem>>, vector<16xf32>,
        %get3A_194 = arith.index_cast %scan3A_175 : i32 to index
        %get3A_195 = arith.constant 0 : index
        %get3A_196 = tpu.vector_load %arg31[%get3A_194, %get3A_195] {strides = array<i32>} : memref<128x32xf32, #tpu.memory_space<vmem>>, vector<16xf32>,
        %get3A_197 = arith.index_cast %scan3A_175 : i32 to index
        %get3A_198 = arith.constant 16 : index
        %get3A_199 = tpu.vector_load %arg31[%get3A_197, %get3A_198] {strides = array<i32>} : memref<128x32xf32, #tpu.memory_space<vmem>>, vector<16xf32>,
        %get3A_200 = arith.index_cast %scan3A_175 : i32 to index
        %get3A_201 = arith.constant 0 : index
        %get3A_202 = tpu.vector_load %arg32[%get3A_200, %get3A_201] {strides = array<i32>} : memref<128x32xf32, #tpu.memory_space<vmem>>, vector<16xf32>,
        %get3A_203 = arith.index_cast %scan3A_175 : i32 to index
        %get3A_204 = arith.constant 16 : index
        %get3A_205 = tpu.vector_load %arg32[%get3A_203, %get3A_204] {strides = array<i32>} : memref<128x32xf32, #tpu.memory_space<vmem>>, vector<16xf32>,
        %get3A_206 = arith.index_cast %scan3A_175 : i32 to index
        %get3A_207 = arith.constant 0 : index
        %get3A_208 = tpu.vector_load %arg33[%get3A_206, %get3A_207] {strides = array<i32>} : memref<128x32xf32, #tpu.memory_space<vmem>>, vector<16xf32>,
        %get3A_209 = arith.index_cast %scan3A_175 : i32 to index
        %get3A_210 = arith.constant 16 : index
        %get3A_211 = tpu.vector_load %arg33[%get3A_209, %get3A_210] {strides = array<i32>} : memref<128x32xf32, #tpu.memory_space<vmem>>, vector<16xf32>,
        %mul3A_212 = arith.mulf %get3A_178, %get3A_202 : vector<16xf32>
        %mul3A_213 = arith.mulf %mul3A_212, %get3A_190 : vector<16xf32>
        %mul3A_214 = arith.mulf %get3A_181, %get3A_205 : vector<16xf32>
        %mul3A_215 = arith.mulf %mul3A_214, %get3A_193 : vector<16xf32>
        %add3A_216 = arith.addf %mul3A_213, %mul3A_215 : vector<16xf32>
        %mul3A_217 = arith.mulf %get3A_184, %get3A_208 : vector<16xf32>
        %mul3A_218 = arith.mulf %mul3A_217, %get3A_196 : vector<16xf32>
        %mul3A_219 = arith.mulf %get3A_187, %get3A_211 : vector<16xf32>
        %mul3A_220 = arith.mulf %mul3A_219, %get3A_199 : vector<16xf32>
        %add3A_221 = arith.addf %mul3A_218, %mul3A_220 : vector<16xf32>
        %add3A_222 = arith.addf %add3A_216, %add3A_221 : vector<16xf32>
        %swap3A_223 = arith.index_cast %scan3A_175 : i32 to index
        %swap3A_224 = arith.constant 0 : index
        %swap3A_225 = tpu.vector_load %arg34[%swap3A_223, %swap3A_224] {strides = array<i32>} : memref<128x16xf32, #tpu.memory_space<vmem>>, vector<16xf32>,
        tpu.vector_store %arg34[%swap3A_223, %swap3A_224], %add3A_222 {strides = array<i32>} : memref<128x16xf32, #tpu.memory_space<vmem>>, vector<16xf32>,
      }
      %scan3A_168 = arith.constant 128 : i32
      %scan3A_169 = arith.constant 0 : i32
      %scan3A_170 = arith.constant 0 : i32
      %scan3A_171 = arith.constant 8 : i32
      %scan3A_172 = arith.addi %scan3A_170, %scan3A_171 : i32
      %scan3A_173 = arith.constant 1 : i32
      scf.for %scan3A_175 = %scan3A_170 to %scan3A_172 step %scan3A_173  : i32 {
        %mul3A_176 = arith.constant 16 : i32
        %mul3A_177 = arith.muli %scan3A_175, %mul3A_176 : i32
        %add3A_178 = vector.broadcast %mul3A_177 : i32 to vector<16xi32>
        %add3A_179 = arith.addi %iota3A, %add3A_178 : vector<16xi32>
        %broadcast_in_dim3A_180 = arith.constant 0 : i32
        %broadcast_in_dim3A_181 = vector.broadcast %broadcast_in_dim3A_180 : i32 to vector<16xi32>
        %gather3A = tpu.vector_load_idx %arg34[%add3A_179, %broadcast_in_dim3A_181] : memref<128x16xf32, #tpu.memory_space<vmem>>[vector<16xi32>, vector<16xi32>], vector<16xf32>,
        %broadcast_in_dim3A_182 = arith.constant 1 : i32
        %broadcast_in_dim3A_183 = vector.broadcast %broadcast_in_dim3A_182 : i32 to vector<16xi32>
        %gather3A_184 = tpu.vector_load_idx %arg34[%add3A_179, %broadcast_in_dim3A_183] : memref<128x16xf32, #tpu.memory_space<vmem>>[vector<16xi32>, vector<16xi32>], vector<16xf32>,
        %add3A_185 = arith.addf %gather3A, %gather3A_184 : vector<16xf32>
        %broadcast_in_dim3A_186 = arith.constant 2 : i32
        %broadcast_in_dim3A_187 = vector.broadcast %broadcast_in_dim3A_186 : i32 to vector<16xi32>
        %gather3A_188 = tpu.vector_load_idx %arg34[%add3A_179, %broadcast_in_dim3A_187] : memref<128x16xf32, #tpu.memory_space<vmem>>[vector<16xi32>, vector<16xi32>], vector<16xf32>,
        %add3A_189 = arith.addf %add3A_185, %gather3A_188 : vector<16xf32>
        %broadcast_in_dim3A_190 = arith.constant 3 : i32
        %broadcast_in_dim3A_191 = vector.broadcast %broadcast_in_dim3A_190 : i32 to vector<16xi32>
        %gather3A_192 = tpu.vector_load_idx %arg34[%add3A_179, %broadcast_in_dim3A_191] : memref<128x16xf32, #tpu.memory_space<vmem>>[vector<16xi32>, vector<16xi32>], vector<16xf32>,
        %add3A_193 = arith.addf %add3A_189, %gather3A_192 : vector<16xf32>
        %broadcast_in_dim3A_194 = arith.constant 4 : i32
        %broadcast_in_dim3A_195 = vector.broadcast %broadcast_in_dim3A_194 : i32 to vector<16xi32>
        %gather3A_196 = tpu.vector_load_idx %arg34[%add3A_179, %broadcast_in_dim3A_195] : memref<128x16xf32, #tpu.memory_space<vmem>>[vector<16xi32>, vector<16xi32>], vector<16xf32>,
        %add3A_197 = arith.addf %add3A_193, %gather3A_196 : vector<16xf32>
        %broadcast_in_dim3A_198 = arith.constant 5 : i32
        %broadcast_in_dim3A_199 = vector.broadcast %broadcast_in_dim3A_198 : i32 to vector<16xi32>
        %gather3A_200 = tpu.vector_load_idx %arg34[%add3A_179, %broadcast_in_dim3A_199] : memref<128x16xf32, #tpu.memory_space<vmem>>[vector<16xi32>, vector<16xi32>], vector<16xf32>,
        %add3A_201 = arith.addf %add3A_197, %gather3A_200 : vector<16xf32>
        %broadcast_in_dim3A_202 = arith.constant 6 : i32
        %broadcast_in_dim3A_203 = vector.broadcast %broadcast_in_dim3A_202 : i32 to vector<16xi32>
        %gather3A_204 = tpu.vector_load_idx %arg34[%add3A_179, %broadcast_in_dim3A_203] : memref<128x16xf32, #tpu.memory_space<vmem>>[vector<16xi32>, vector<16xi32>], vector<16xf32>,
        %add3A_205 = arith.addf %add3A_201, %gather3A_204 : vector<16xf32>
        %broadcast_in_dim3A_206 = arith.constant 7 : i32
        %broadcast_in_dim3A_207 = vector.broadcast %broadcast_in_dim3A_206 : i32 to vector<16xi32>
        %gather3A_208 = tpu.vector_load_idx %arg34[%add3A_179, %broadcast_in_dim3A_207] : memref<128x16xf32, #tpu.memory_space<vmem>>[vector<16xi32>, vector<16xi32>], vector<16xf32>,
        %add3A_209 = arith.addf %add3A_205, %gather3A_208 : vector<16xf32>
        %broadcast_in_dim3A_210 = arith.constant 8 : i32
        %broadcast_in_dim3A_211 = vector.broadcast %broadcast_in_dim3A_210 : i32 to vector<16xi32>
        %gather3A_212 = tpu.vector_load_idx %arg34[%add3A_179, %broadcast_in_dim3A_211] : memref<128x16xf32, #tpu.memory_space<vmem>>[vector<16xi32>, vector<16xi32>], vector<16xf32>,
        %add3A_213 = arith.addf %add3A_209, %gather3A_212 : vector<16xf32>
        %broadcast_in_dim3A_214 = arith.constant 9 : i32
        %broadcast_in_dim3A_215 = vector.broadcast %broadcast_in_dim3A_214 : i32 to vector<16xi32>
        %gather3A_216 = tpu.vector_load_idx %arg34[%add3A_179, %broadcast_in_dim3A_215] : memref<128x16xf32, #tpu.memory_space<vmem>>[vector<16xi32>, vector<16xi32>], vector<16xf32>,
        %add3A_217 = arith.addf %add3A_213, %gather3A_216 : vector<16xf32>
        %broadcast_in_dim3A_218 = arith.constant 10 : i32
        %broadcast_in_dim3A_219 = vector.broadcast %broadcast_in_dim3A_218 : i32 to vector<16xi32>
        %gather3A_220 = tpu.vector_load_idx %arg34[%add3A_179, %broadcast_in_dim3A_219] : memref<128x16xf32, #tpu.memory_space<vmem>>[vector<16xi32>, vector<16xi32>], vector<16xf32>,
        %add3A_221 = arith.addf %add3A_217, %gather3A_220 : vector<16xf32>
        %broadcast_in_dim3A_222 = arith.constant 11 : i32
        %broadcast_in_dim3A_223 = vector.broadcast %broadcast_in_dim3A_222 : i32 to vector<16xi32>
        %gather3A_224 = tpu.vector_load_idx %arg34[%add3A_179, %broadcast_in_dim3A_223] : memref<128x16xf32, #tpu.memory_space<vmem>>[vector<16xi32>, vector<16xi32>], vector<16xf32>,
        %add3A_225 = arith.addf %add3A_221, %gather3A_224 : vector<16xf32>
        %broadcast_in_dim3A_226 = arith.constant 12 : i32
        %broadcast_in_dim3A_227 = vector.broadcast %broadcast_in_dim3A_226 : i32 to vector<16xi32>
        %gather3A_228 = tpu.vector_load_idx %arg34[%add3A_179, %broadcast_in_dim3A_227] : memref<128x16xf32, #tpu.memory_space<vmem>>[vector<16xi32>, vector<16xi32>], vector<16xf32>,
        %add3A_229 = arith.addf %add3A_225, %gather3A_228 : vector<16xf32>
        %broadcast_in_dim3A_230 = arith.constant 13 : i32
        %broadcast_in_dim3A_231 = vector.broadcast %broadcast_in_dim3A_230 : i32 to vector<16xi32>
        %gather3A_232 = tpu.vector_load_idx %arg34[%add3A_179, %broadcast_in_dim3A_231] : memref<128x16xf32, #tpu.memory_space<vmem>>[vector<16xi32>, vector<16xi32>], vector<16xf32>,
        %add3A_233 = arith.addf %add3A_229, %gather3A_232 : vector<16xf32>
        %broadcast_in_dim3A_234 = arith.constant 14 : i32
        %broadcast_in_dim3A_235 = vector.broadcast %broadcast_in_dim3A_234 : i32 to vector<16xi32>
        %gather3A_236 = tpu.vector_load_idx %arg34[%add3A_179, %broadcast_in_dim3A_235] : memref<128x16xf32, #tpu.memory_space<vmem>>[vector<16xi32>, vector<16xi32>], vector<16xf32>,
        %add3A_237 = arith.addf %add3A_233, %gather3A_236 : vector<16xf32>
        %broadcast_in_dim3A_238 = arith.constant 15 : i32
        %broadcast_in_dim3A_239 = vector.broadcast %broadcast_in_dim3A_238 : i32 to vector<16xi32>
        %gather3A_240 = tpu.vector_load_idx %arg34[%add3A_179, %broadcast_in_dim3A_239] : memref<128x16xf32, #tpu.memory_space<vmem>>[vector<16xi32>, vector<16xi32>], vector<16xf32>,
        %add3A_241 = arith.addf %add3A_237, %gather3A_240 : vector<16xf32>
        %mul3A_242 = arith.mulf %add3A_241, %get3A_7 : vector<16xf32>
        %add3A_243 = arith.addf %mul3A_242, %get3A_9 : vector<16xf32>
        %neg3A = arith.constant 0.000000e+00 : f32
        %neg3A_244 = vector.broadcast %neg3A : f32 to vector<16xf32>
        %neg3A_245 = arith.subf %neg3A_244, %add3A_243 : vector<16xf32>
        %exp3A = math.exp %neg3A_245 : vector<16xf32>
        %add3A_246 = arith.constant 1.000000e+00 : f32
        %add3A_247 = vector.broadcast %add3A_246 : f32 to vector<16xf32>
        %add3A_248 = arith.addf %add3A_247, %exp3A : vector<16xf32>
        %div3A = arith.constant 1.000000e+00 : f32
        %div3A_249 = vector.broadcast %div3A : f32 to vector<16xf32>
        %div3A_250 = arith.divf %div3A_249, %add3A_248 : vector<16xf32>
        %get3A_251 = arith.constant 0 : index
        %get3A_252 = tpu.vector_load %arg39[%get3A_251] {strides = array<i32>} : memref<16xf32, #tpu.memory_space<vmem>>, vector<16xf32>,
        %mul3A_253 = arith.mulf %div3A_250, %div3A_250 : vector<16xf32>
        %add3A_254 = arith.addf %get3A_252, %mul3A_253 : vector<16xf32>
        %swap3A_255 = arith.constant 0 : index
        %swap3A_256 = tpu.vector_load %arg39[%swap3A_255] {strides = array<i32>} : memref<16xf32, #tpu.memory_space<vmem>>, vector<16xf32>,
        tpu.vector_store %arg39[%swap3A_255], %add3A_254 {strides = array<i32>} : memref<16xf32, #tpu.memory_space<vmem>>, vector<16xf32>,
      }
      %scan3A_174 = arith.constant 8 : i32
    }
    %scan3A_82 = arith.constant 10 : i32
    %run_scoped3A = arith.constant 0 : i32
    "tpu.region"() ({
      %run_scoped3A_85 = tpu.sem_alloc : memref<!tpu.dma_semaphore, #tpu.memory_space<semaphore_mem>>
      %dma_start3A_86 = arith.constant 0 : i32
      %dma_start3A_87 = tpu.memref_slice %arg15[%run_scoped3A, %add3A, %dma_start3A_86] : memref<3x32x16xf32, #tpu.memory_space<hbm>> -> memref<1x1x16xf32, #tpu.memory_space<hbm>>
      %dma_start3A_88 = tpu.memref_squeeze %dma_start3A_87 : memref<1x1x16xf32, #tpu.memory_space<hbm>> -> memref<16xf32, #tpu.memory_space<hbm>>
      %dma_start3A_89 = arith.constant 0 : i32
      %dma_start3A_90 = tpu.memref_slice %arg15[%run_scoped3A, %add3A, %dma_start3A_89] : memref<3x32x16xf32, #tpu.memory_space<hbm>> -> memref<1x1x16xf32, #tpu.memory_space<hbm>>
      %dma_start3A_91 = tpu.memref_squeeze %dma_start3A_90 : memref<1x1x16xf32, #tpu.memory_space<hbm>> -> memref<16xf32, #tpu.memory_space<hbm>>
      tpu.enqueue_dma source(%arg38 : memref<16xf32, #tpu.memory_space<vmem>>) target(%dma_start3A_91 : memref<16xf32, #tpu.memory_space<hbm>>) target_semaphore(%run_scoped3A_85 : memref<!tpu.dma_semaphore, #tpu.memory_space<semaphore_mem>>)
      %dma_wait3A_92 = arith.constant 0 : i32
      %dma_wait3A_93 = tpu.memref_slice %arg15[%run_scoped3A, %add3A, %dma_wait3A_92] : memref<3x32x16xf32, #tpu.memory_space<hbm>> -> memref<1x1x16xf32, #tpu.memory_space<hbm>>
      %dma_wait3A_94 = tpu.memref_squeeze %dma_wait3A_93 : memref<1x1x16xf32, #tpu.memory_space<hbm>> -> memref<16xf32, #tpu.memory_space<hbm>>
      %dma_wait3A_95 = arith.constant 0 : i32
      %dma_wait3A_96 = tpu.memref_slice %arg15[%run_scoped3A, %add3A, %dma_wait3A_95] : memref<3x32x16xf32, #tpu.memory_space<hbm>> -> memref<1x1x16xf32, #tpu.memory_space<hbm>>
      %dma_wait3A_97 = tpu.memref_squeeze %dma_wait3A_96 : memref<1x1x16xf32, #tpu.memory_space<hbm>> -> memref<16xf32, #tpu.memory_space<hbm>>
      tpu.wait_dma2 semaphore(%run_scoped3A_85 : memref<!tpu.dma_semaphore, #tpu.memory_space<semaphore_mem>>) src(%arg38 : memref<16xf32, #tpu.memory_space<vmem>>) dst(%dma_wait3A_97 : memref<16xf32, #tpu.memory_space<hbm>>)
      tpu.yield
    }) : () -> ()
    %run_scoped3A_83 = arith.constant 1 : i32
    "tpu.region"() ({
      %run_scoped3A_85 = tpu.sem_alloc : memref<!tpu.dma_semaphore, #tpu.memory_space<semaphore_mem>>
      %dma_start3A_86 = arith.constant 0 : i32
      %dma_start3A_87 = tpu.memref_slice %arg15[%run_scoped3A_83, %add3A, %dma_start3A_86] : memref<3x32x16xf32, #tpu.memory_space<hbm>> -> memref<1x1x16xf32, #tpu.memory_space<hbm>>
      %dma_start3A_88 = tpu.memref_squeeze %dma_start3A_87 : memref<1x1x16xf32, #tpu.memory_space<hbm>> -> memref<16xf32, #tpu.memory_space<hbm>>
      %dma_start3A_89 = arith.constant 0 : i32
      %dma_start3A_90 = tpu.memref_slice %arg15[%run_scoped3A_83, %add3A, %dma_start3A_89] : memref<3x32x16xf32, #tpu.memory_space<hbm>> -> memref<1x1x16xf32, #tpu.memory_space<hbm>>
      %dma_start3A_91 = tpu.memref_squeeze %dma_start3A_90 : memref<1x1x16xf32, #tpu.memory_space<hbm>> -> memref<16xf32, #tpu.memory_space<hbm>>
      tpu.enqueue_dma source(%arg39 : memref<16xf32, #tpu.memory_space<vmem>>) target(%dma_start3A_91 : memref<16xf32, #tpu.memory_space<hbm>>) target_semaphore(%run_scoped3A_85 : memref<!tpu.dma_semaphore, #tpu.memory_space<semaphore_mem>>)
      %dma_wait3A_92 = arith.constant 0 : i32
      %dma_wait3A_93 = tpu.memref_slice %arg15[%run_scoped3A_83, %add3A, %dma_wait3A_92] : memref<3x32x16xf32, #tpu.memory_space<hbm>> -> memref<1x1x16xf32, #tpu.memory_space<hbm>>
      %dma_wait3A_94 = tpu.memref_squeeze %dma_wait3A_93 : memref<1x1x16xf32, #tpu.memory_space<hbm>> -> memref<16xf32, #tpu.memory_space<hbm>>
      %dma_wait3A_95 = arith.constant 0 : i32
      %dma_wait3A_96 = tpu.memref_slice %arg15[%run_scoped3A_83, %add3A, %dma_wait3A_95] : memref<3x32x16xf32, #tpu.memory_space<hbm>> -> memref<1x1x16xf32, #tpu.memory_space<hbm>>
      %dma_wait3A_97 = tpu.memref_squeeze %dma_wait3A_96 : memref<1x1x16xf32, #tpu.memory_space<hbm>> -> memref<16xf32, #tpu.memory_space<hbm>>
      tpu.wait_dma2 semaphore(%run_scoped3A_85 : memref<!tpu.dma_semaphore, #tpu.memory_space<semaphore_mem>>) src(%arg39 : memref<16xf32, #tpu.memory_space<vmem>>) dst(%dma_wait3A_97 : memref<16xf32, #tpu.memory_space<hbm>>)
      tpu.yield
    }) : () -> ()
    %run_scoped3A_84 = arith.constant 2 : i32
    "tpu.region"() ({
      %run_scoped3A_85 = tpu.sem_alloc : memref<!tpu.dma_semaphore, #tpu.memory_space<semaphore_mem>>
      %dma_start3A_86 = arith.constant 0 : i32
      %dma_start3A_87 = tpu.memref_slice %arg15[%run_scoped3A_84, %add3A, %dma_start3A_86] : memref<3x32x16xf32, #tpu.memory_space<hbm>> -> memref<1x1x16xf32, #tpu.memory_space<hbm>>
      %dma_start3A_88 = tpu.memref_squeeze %dma_start3A_87 : memref<1x1x16xf32, #tpu.memory_space<hbm>> -> memref<16xf32, #tpu.memory_space<hbm>>
      %dma_start3A_89 = arith.constant 0 : i32
      %dma_start3A_90 = tpu.memref_slice %arg15[%run_scoped3A_84, %add3A, %dma_start3A_89] : memref<3x32x16xf32, #tpu.memory_space<hbm>> -> memref<1x1x16xf32, #tpu.memory_space<hbm>>
      %dma_start3A_91 = tpu.memref_squeeze %dma_start3A_90 : memref<1x1x16xf32, #tpu.memory_space<hbm>> -> memref<16xf32, #tpu.memory_space<hbm>>
      tpu.enqueue_dma source(%arg40 : memref<16xf32, #tpu.memory_space<vmem>>) target(%dma_start3A_91 : memref<16xf32, #tpu.memory_space<hbm>>) target_semaphore(%run_scoped3A_85 : memref<!tpu.dma_semaphore, #tpu.memory_space<semaphore_mem>>)
      %dma_wait3A_92 = arith.constant 0 : i32
      %dma_wait3A_93 = tpu.memref_slice %arg15[%run_scoped3A_84, %add3A, %dma_wait3A_92] : memref<3x32x16xf32, #tpu.memory_space<hbm>> -> memref<1x1x16xf32, #tpu.memory_space<hbm>>
      %dma_wait3A_94 = tpu.memref_squeeze %dma_wait3A_93 : memref<1x1x16xf32, #tpu.memory_space<hbm>> -> memref<16xf32, #tpu.memory_space<hbm>>
      %dma_wait3A_95 = arith.constant 0 : i32
      %dma_wait3A_96 = tpu.memref_slice %arg15[%run_scoped3A_84, %add3A, %dma_wait3A_95] : memref<3x32x16xf32, #tpu.memory_space<hbm>> -> memref<1x1x16xf32, #tpu.memory_space<hbm>>
      %dma_wait3A_97 = tpu.memref_squeeze %dma_wait3A_96 : memref<1x1x16xf32, #tpu.memory_space<hbm>> -> memref<16xf32, #tpu.memory_space<hbm>>
      tpu.wait_dma2 semaphore(%run_scoped3A_85 : memref<!tpu.dma_semaphore, #tpu.memory_space<semaphore_mem>>) src(%arg40 : memref<16xf32, #tpu.memory_space<vmem>>) dst(%dma_wait3A_97 : memref<16xf32, #tpu.memory_space<hbm>>)
      tpu.yield
    }) : () -> ()
    return
  }
}

</mosaic_0001>

<sc_bundles>
// kernel: kernel.3.cloned.1.call-start
scs
__scs_entry_jumppad:
0x0: {  	(pc) =	sbr.rel $0x88, $3  }
0x1: {  	(tag) =	ssettag $0x0;
	lr =	simm.s32 $0x1  }
0x2: {  	[smem:$0x3F91] =	sst lr;
	_ =	strace $0xD0000000  }
0x3: {  	_ = 	snop  }
0x4: {  	_ = 	snop  }
0x5: {  	_ = 	snop  }
0x6: {  	_ = 	snop  }
0x7: {  	_ = 	snop  }
__scs_overlays_trampoline_lowered:
0x8: {  	[smem:$0x3FA0] =	sst s0  }
0x9: {  	[smem:$0x3FA1] =	sst s1  }
0xa: {  	[smem:$0x3FA2] =	sst s2  }
0xb: {  	[smem:$0x3FA3] =	sst s3  }
0xc: {  	[smem:$0x3FA4] =	sst s4  }
0xd: {  	[smem:$0x3FA5] =	sst s5  }
0xe: {  	[smem:$0x3FA6] =	sst s6  }
0xf: {  	[smem:$0x3FA7] =	sst s7  }
0x10: {  	[smem:$0x3FA8] =	sst s8  }
0x11: {  	[smem:$0x3FA9] =	sst s9;
	s0 =	simm.s32 @!p0 $0x0  }
0x12: {  	s1 =	sld [smem:$0x3F8F];
	s0 =	simm.s32 @p0 $0x1  }
0x13: {  	[smem:$0x3FAA] =	sst s0;
	s0 =	simm.s32 @!p1 $0x0  }
0x14: {  	s2 =	sld [smem:$0x3F8E];
	s0 =	simm.s32 @p1 $0x1  }
0x15: {  	[smem:$0x3FAB] =	sst s0;
	s0 =	simm.s32 @!p2 $0x0  }
0x16: {  	s3 =	sld [smem:$0x3FDB];
	s0 =	simm.s32 @p2 $0x1  }
0x17: {  	s4 =	simm.s32 $0x1BF5;
	[smem:$0x3FAD] =	sst s0  }
0x18: {  	s0 =	sld [smem:$0x3F90];
	_ =	swait.ge [sflag:s4], $0x0  }
0x19: {  	s7 =	sld [smem:$0x3F91]  }
0x1a: {  	s8 =	sadd.s32 $0xFFFFE003, lr  }
0x1b: {  	s9 =	sadd.s32 $0xFFFFFEF7, lr;
	s5 =	simm.s32 $0xFFFFFFFF;
	p2 =	slt.u32 s8, $0xFFFFF086  }
0x1c: {  	p1 =	slt.u32 s9, $0xF7A;
	s5 =	simm.s32 @!p2 $0x0  }
0x1d: {  	s5 =	simm.s32 @p1 $0x1;
	p0 =	seq.s32 s7, s2  }
0x1e: {  	s7 =	smul.u32 @!p0 $0xF7A, s2;
	p2 =	seq.s32 @!p0 s5, $0x0  }
0x1f: {  	s9 =	smul.u32 $0xF7A, s1;
	s8 =	simm.s32 @!p0 $0x1BF5;
	p2 =	por !p2, p0  }
0x20: {  	[sflag:s8] =	ssyncset.s32 @!p0 $0xFFFFF086;
	s6 =	sadd.s32 @!p0 s3, s7;
	s7 =	simm.s32 @!p0 $0x108  }
0x21: {  	s3 =	sadd.s32 s3, s9;
	s6 =	sadd.s32 @!p0 $0x88, s6;
	s7 =	simm.s32 @p2 $0x1082  }
0x22: {  	[simem:s7], [sflag:s8] =	dma.local @!p0 [hbm:s6], $0xF7A  }
0x23: {  	s9 =	sor.u32 $0xD0000000, s2;
	s6 =	simm.s32 $0x108;
	_ =	swait.ge @!p0 [sflag:s8], $0x0  }
0x24: {  	s3 =	sadd.s32 $0x88, s3;
	s6 =	simm.s32 @!p1 $0x1082;
	[sflag:s4] =	ssyncset.s32 $0xFFFFF086  }
0x25: {  	[simem:s6], [sflag:s4] =	dma.local [hbm:s3], $0xF7A  }
0x26: {  	[smem:$0x3F91] =	sst s1;
	(tag) =	ssettag s2;
	_ =	strace s9  }
0x27: {  	s1 =	sld [smem:$0x3FA1]  }
0x28: {  	s2 =	sld [smem:$0x3FA2]  }
0x29: {  	s4 =	sld [smem:$0x3FA4]  }
0x2a: {  	p0 =	seq.s32 s5, $0x0;
	s5 =	sld [smem:$0x3FA5]  }
0x2b: {  	s6 =	sld [smem:$0x3FA6]  }
0x2c: {  	s7 =	sld [smem:$0x3FA7]  }
0x2d: {  	s3 =	simm.s32 $0x108;
	s8 =	sld [smem:$0x3FA8]  }
0x2e: {  	s3 =	simm.s32 @!p0 $0x1082;
	s9 =	sld [smem:$0x3FA9]  }
0x2f: {  	lr =	sadd.s32 s0, s3;
	s0 =	sld [smem:$0x3FA0]  }
0x30: {  	s3 =	sld [smem:$0x3FA3]  }
0x31: {  	[smem:$0x3FAC] =	sst s10  }
0x32: {  	s10 =	sld [smem:$0x3FAA];
	_ =	sdelay $0x3  }
0x33: {  	p0 =	seq.s32 s10, $0x1;
	s10 =	sld [smem:$0x3FAC];
	_ =	sdelay $0x3  }
0x34: {  	[smem:$0x3FAC] =	sst s10  }
0x35: {  	s10 =	sld [smem:$0x3FAB];
	_ =	sdelay $0x3  }
0x36: {  	p1 =	seq.s32 s10, $0x1;
	s10 =	sld [smem:$0x3FAC];
	_ =	sdelay $0x3  }
0x37: {  	[smem:$0x3FAC] =	sst s10  }
0x38: {  	s10 =	sld [smem:$0x3FAD]  }
0x39: {  	_ = 	snop;
	(pc) =	sbr.ind lr, $3  }
0x3a: {  	_ = 	snop  }
0x3b: {  	_ = 	snop  }
0x3c: {  	p2 =	seq.s32 s10, $0x1;
	s10 =	sld [smem:$0x3FAC]  }
0x3d: {  	_ =	shalt  }
0x3e: {  	_ =	shalt  }
0x3f: {  	_ =	shalt  }
0x40: {  	_ =	shalt  }
0x41: {  	_ =	shalt  }
0x42: {  	_ =	shalt  }
0x43: {  	_ =	shalt  }
0x44: {  	_ =	shalt  }
0x45: {  	_ =	shalt  }
0x46: {  	_ =	shalt  }
0x47: {  	_ =	shalt  }
0x48: {  	_ =	shalt  }
0x49: {  	_ =	shalt  }
0x4a: {  	_ =	shalt  }
0x4b: {  	_ =	shalt  }
0x4c: {  	_ =	shalt  }
0x4d: {  	_ =	shalt  }
0x4e: {  	_ =	shalt  }
0x4f: {  	_ =	shalt  }
0x50: {  	_ =	shalt  }
0x51: {  	_ =	shalt  }
0x52: {  	_ =	shalt  }
0x53: {  	_ =	shalt  }
0x54: {  	_ =	shalt  }
0x55: {  	_ =	shalt  }
0x56: {  	_ =	shalt  }
0x57: {  	_ =	shalt  }
0x58: {  	_ =	shalt  }
0x59: {  	_ =	shalt  }
0x5a: {  	_ =	shalt  }
0x5b: {  	_ =	shalt  }
0x5c: {  	_ =	shalt  }
0x5d: {  	_ =	shalt  }
0x5e: {  	_ =	shalt  }
0x5f: {  	_ =	shalt  }
0x60: {  	_ =	shalt  }
0x61: {  	_ =	shalt  }
0x62: {  	_ =	shalt  }
0x63: {  	_ =	shalt  }
0x64: {  	_ =	shalt  }
0x65: {  	_ =	shalt  }
0x66: {  	_ =	shalt  }
0x67: {  	_ =	shalt  }
0x68: {  	_ =	shalt  }
0x69: {  	_ =	shalt  }
0x6a: {  	_ =	shalt  }
0x6b: {  	_ =	shalt  }
0x6c: {  	_ =	shalt  }
0x6d: {  	_ =	shalt  }
0x6e: {  	_ =	shalt  }
0x6f: {  	_ =	shalt  }
0x70: {  	_ =	shalt  }
0x71: {  	_ =	shalt  }
0x72: {  	_ =	shalt  }
0x73: {  	_ =	shalt  }
0x74: {  	_ =	shalt  }
0x75: {  	_ =	shalt  }
0x76: {  	_ =	shalt  }
0x77: {  	_ =	shalt  }
0x78: {  	_ =	shalt  }
0x79: {  	_ =	shalt  }
0x7a: {  	_ =	shalt  }
0x7b: {  	_ =	shalt  }
0x7c: {  	_ =	shalt  }
0x7d: {  	_ =	shalt  }
0x7e: {  	_ =	shalt  }
0x7f: {  	_ =	shalt  }
0x80: {  	_ =	shalt  }
0x81: {  	_ =	shalt  }
0x82: {  	_ =	shalt  }
0x83: {  	_ =	shalt  }
0x84: {  	_ =	shalt  }
0x85: {  	_ =	shalt  }
0x86: {  	_ =	shalt  }
0x87: {  	_ =	shalt  }
.Lfunc_end0:
.L_simem_size_0:
called_computation_lowered:
.L_overlay_start_0:
0x88: {  	s2 =	sld [smem:$0x3FD9]  }
0x89: {  	s3 =	sld [smem:$0x3FFE];
	_ =	sdelay $0x1  }
0x8a: {  	s1 =	srdreg.scid  }
0x8b: {  	s0 =	sand.u32 $0x1, s1  }
0x8c: {  	s17 =	sshll.u32 s0, $0xA;
	s2 =	sadd.s32 s3, s2  }
0x8d: {  	s2 =	sadd.s32 s2, s17  }
0x8e: {  	[smem:$0x3FB8] =	sst s2  }
0x8f: {  	_ = 	snop  }
0x90: {  	s2 =	sld [smem:$0x3FC9]  }
0x91: {  	s18 =	sld [smem:$0x3FC8]  }
0x92: {  	s4 =	sld [smem:$0x3FC7]  }
0x93: {  	s5 =	sld [smem:$0x3FC6]  }
0x94: {  	s6 =	sld [smem:$0x3FD0];
	(tm) =	ssettm $0x1  }
0x95: {  	s7 =	sld [smem:$0x3FFB];
	_ =	sdelay $0x3  }
0x96: {  	_ =	strace s7  }
0x97: {  	s7 =	sld [smem:$0x3FFC];
	_ =	sdelay $0x3  }
0x98: {  	_ =	strace s7  }
0x99: {  	s7 =	sld [smem:$0x3FFD];
	_ =	sdelay $0x3  }
0x9a: {  	_ =	strace s7  }
0x9b: {  	_ =	strace $0x8FFFFFFF  }
0x9c: {  	s19 =	sld [smem:$0x3FDB];
	_ =	sdelay $0x1  }
0x9d: {  	s8 =	simm.s32 $_scs_section_size  }
0x9e: {  	s9 =	simm.s32 $_size__tile_overlayer_lowered;
	s10 =	simm.s32 $_tile_overlayer_lowered  }
0x9f: {  	s22 =	simm.s32 $0x1BFF;
	s21 =	sshll.u32 s10, $0x1;
	s7 =	sadd.s32 s8, s19  }
0xa0: {  	s11 =	simm.s32 $0x0;
	s20 =	sshll.u32 s9, $0x1;
	s9 =	sadd.s32 s21, s7  }
0xa1: {  	[timem:s11], [sflag:s22] =	dma.local [hbm:s9], s20  }
0xa2: {  	_ =	swait.ge [sflag:s22], s20  }
0xa3: {  	s8 =	ssub.s32 $0x0, s20;
	[sflag:s22] =	ssyncset.done $0x0  }
0xa4: {  	[sflag:s22] =	ssyncadd.s32 s8;
	_ =	sdelay $0x1  }
0xa5: {  	s23 =	simm.s32 $0x1B8B  }
0xa6: {  	_ =	swait.ge [sflag:s23], $0x1  }
0xa7: {  	[sflag:s23] =	ssyncset.done $0x0  }
0xa8: {  	s25 =	simm.s32 $0x1B8E;
	s24 =	sld [smem:$0x3FFE];
	[sflag:s23] =	ssyncadd.s32 $0xFFFFFFFF  }
0xa9: {  	s26 =	simm.s32 $execute0_lowered;
	[smem:$0x3FD2] =	sst s25  }
0xaa: {  	s9 =	sshll.u32 s26, $0x1;
	_ =	strace $0x80000046;
	[dreg:$0x1] =	wrdreg $0xFFFFFFFF  }
0xab: {  	s28 =	simm.s32 $_size_execute0_lowered;
	s7 =	sadd.s32 s7, s9;
	[dreg:$0x0] =	wrdreg $0x0  }
0xac: {  	s9 =	sshll.u32 s28, $0x1;
	[dreg:$0x2] =	wrdreg s7  }
0xad: {  	[dreg:$0x3] =	wrdreg s9  }
0xae: {  	[dreg:$0x4] =	wrdreg $0xC0  }
0xaf: {  	_ =	task [dreg:s11], $0x5FFFF  }
0xb0: {  	[dreg:$0x1] =	wrdreg $0xFFFFFFFF  }
0xb1: {  	[dreg:$0x0] =	wrdreg $0x60  }
0xb2: {  	[dreg:$0x2] =	wrdreg s2  }
0xb3: {  	[dreg:$0x3] =	wrdreg s18  }
0xb4: {  	[dreg:$0x4] =	wrdreg s4  }
0xb5: {  	[dreg:$0x5] =	wrdreg s5  }
0xb6: {  	[dreg:$0x6] =	wrdreg s24  }
0xb7: {  	[dreg:$0x7] =	wrdreg s6  }
0xb8: {  	[dreg:$0x8] =	wrdreg $0x9  }
0xb9: {  	_ =	task.clear_ibuf [dreg:s11], $0x9FFFF;
	_ =	strace $0x90000046  }
0xba: {  	s29 =	simm.s32 $0x9;
	_ =	strace $0x80000048  }
0xbb: {  	_ =	swait.ge [sflag:s29], $0x1  }
0xbc: {  	[sflag:s29] =	ssyncadd.s32 $0xFFFFFFFF  }
0xbd: {  	_ =	strace $0x90000048  }
0xbe: {  	_ =	sfence  }
0xbf: {  	s30 =	sld [smem:$0x0];
	_ =	sdelay $0x2  }
0xc0: {  	s31 =	sshll.u32 s1, $0xD;
	s1 =	sshrl.u32 s1, $0x2  }
0xc1: {  	s3 =	sand.u32 $0x4000, s31;
	s1 =	sadd.s32 s1, s30  }
0xc2: {  	s0 =	sor.u32 s3, s0;
	s1 =	sshll.u32 s1, $0x11  }
0xc3: {  	s0 =	sor.u32 s1, s0  }
0xc4: {  	s0 =	sadd.s32 $0x8F2B, s0  }
0xc5: {  	[sflag:s0] =	ssyncadd.remote.s32 $0x1  }
0xc6: {  	_ =	sfence.sel $0xFFFF  }
0xc7: {  	[dreg:$0x0] =	wrdreg $0xFFFFFFFF;
	(pc) =	sbr.abs _section_cstart, $3  }
0xc8: {  	[dreg:$0x1] =	wrdreg $0xFFFFFFFF  }
0xc9: {  	_ =	task.clear_ibuf [dreg:s11], $0x2FFFF;
	_ =	strace $0x9FFFFFFF  }
0xca: {  	(tm) =	ssettm $0x7FFFFFFF  }
0xcb: {  	_ =	shalt  }
tec
execute0_lowered:
.L_overlay_start_1:
0x0: {  	(tag) =	ssettag $0x1  }
0x1: {  	s0 =	rddreg [dreg:$0x0]  }
0x2: {  	s1 =	rddreg [dreg:$0x1]  }
0x3: {  	s6 =	rddreg [dreg:$0x2]  }
0x4: {  	s7 =	rddreg [dreg:$0x3]  }
0x5: {  	s12 =	rddreg [dreg:$0x4]  }
0x6: {  	s18 =	simm.s32 $0x0;
	s11 =	srdreg.scid;
	s14 =	stileid.u32  }
0x7: {  	s29 =	simm.s32 $0x80;
	s30 =	simm.s32 $0x300;
	s31 =	simm.s32 $0xC300  }
0x8: {  	s28 =	simm.s32 $0x9300;
	[smem:$0x7FF] =	sst s18;
	s3 =	sadd.s32 $0x5000, s12  }
0x9: {  	s4 =	sadd.s32 $0x2800, s12;
	s5 =	sadd.s32 $0x7800, s12;
	s8 =	sadd.s32 $0x1313400, s12  }
0xa: {  	s2 =	sadd.s32 $0xA000, s12;
	s9 =	sadd.s32 $0xF42A00, s12;
	s10 =	sadd.s32 $0x1600, s12  }
0xb: {  	s13 =	sand.u32 $0x1, s11;
	s14 =	sshll.u32 s14, $0x1;
	s11 =	sadd.s32 $0x600, s12  }
0xc: {  	_ =	strace $0x80000047;
	s14 =	sor.u32 s13, s14;
	s13 =	ssub.s32 $0x2, s13  }
0xd: {  	[dreg:$0x7] =	wrdreg s2;
	s15 =	sshll.u32 s14, $0x1;
	s16 =	sshrl.u32 s13, $0x1  }
0xe: {  	s17 =	smul.u32 $0xA00, s14;
	s14 =	sshll.u32 s14, $0x4;
	s12 =	sadd.s32 s15, s12  }
0xf: {  	s13 =	ssub.s32 s13, s16;
	s0 =	sadd.s32 s0, s14;
	s15 =	sadd.s32 s1, s14  }
0x10: {  	s19 =	sadd.s32 s6, s14;
	s20 =	sadd.s32 s7, s14;
	[dreg:$0x8] =	wrdreg s0  }
0x11: {  	s7 =	simm.s32 $0x1;
	s6 =	simm.s32 $0x200;
	[dreg:$0x9] =	wrdreg s15  }
0x12: {  	s1 =	simm.s32 $0x6300;
	s14 =	simm.s32 $0xA300;
	[dreg:$0xa] =	wrdreg s19  }
0x13: {  	s16 =	sshrl.u32 s17, $0x3;
	[dreg:$0xb] =	wrdreg s20;
	s19 =	sor.u32 $0x80, s17  }
0x14: {  	s20 =	sor.u32 $0x100, s17;
	s23 =	sadd.s32 $0xA200, s12;
	s24 =	sadd.s32 $0xA240, s12  }
0x15: {  	s25 =	sadd.s32 $0xA280, s12;
	s26 =	smax.u32 s13, $0x1;
	[dreg:$0xf] =	wrdreg s23  }
0x16: {  	s12 =	simm.s32 $0x280;
	s13 =	simm.s32 $0x7300;
	[dreg:$0x10] =	wrdreg s24  }
0x17: {  	s15 =	simm.s32 $0xB300;
	s17 =	simm.s32 $0x0;
	[dreg:$0x11] =	wrdreg s25  }
0x18: {  	s21 =	sadd.s32 s3, s16;
	s22 =	sadd.s32 s4, s16;
	[dreg:$0x12] =	wrdreg s26  }
0x19: {  	v1 =	vlaneseq.u32;
	s0 =	sadd.s32 s5, s16;
	s26 =	simm.s32 $0x3;
	[dreg:$0xc] =	wrdreg s21  }
0x1a: {  	v1 =	vmul.u32 $0x10, v1;
	s24 =	simm.s32 $0x100;
	s25 =	simm.s32 $0x8300;
	[dreg:$0xd] =	wrdreg s22  }
0x1b: {  	v0 =	vimm.f32 $0.0e+00;
	s16 =	simm.s32 $0x2;
	[dreg:$0xe] =	wrdreg s0;
	s0 =	simm.s32 $0x180  }
.LBB2_1:
0x1c: {  	[tilespmem:$0xCBA0] =	vst v0  }
0x1d: {  	[tilespmem:$0xCBB0] =	vst v0  }
0x1e: {  	[tilespmem:$0xCBC0] =	vst v0;
	s2 =	rddreg [dreg:$0x7];
	s21 =	simm.s32 $0xCB80  }
0x1f: {  	[tilespmem:s21], [sflag:$0x3] =	stream.linear.gather [hbm4b:s2+s18], $0x10, $0x38;
	[tilespmem:$0xCBD0] =	vst v63  }
0x20: {  	_ =	swait.ge [sflag:s26], $0x10  }
0x21: {  	[sflag:s26] =	ssyncset.done $0x0  }
0x22: {  	[sflag:s26] =	ssyncadd.s32 $0xFFFFFFF0  }
0x23: {  	s23 =	simm.s32 $0xCB90;
	s22 =	rddreg [dreg:$0x5]  }
0x24: {  	[tilespmem:s23], [sflag:$0x3] =	stream.linear.gather [hbm4b:s22+s18], $0x10, $0x38;
	[tilespmem:$0xCBD0] =	vst v63  }
0x25: {  	_ =	swait.ge [sflag:s26], $0x10  }
0x26: {  	[sflag:s26] =	ssyncset.done $0x0  }
0x27: {  	[sflag:s26] =	ssyncadd.s32 $0xFFFFFFF0  }
0x28: {  	s22 =	rddreg [dreg:$0x8];
	v2 =	vld [tilespmem:$0xCB80]  }
0x29: {  	v3 =	vld [tilespmem:$0xCB90];
	[tilespmem:s18], [sflag:$0x3] =	stream.linear.gather [hbm4b:s22+s18], $0x80, $0x38  }
0x2a: {  	_ =	swait.ge [sflag:s26], $0x80  }
0x2b: {  	[sflag:s26] =	ssyncset.done $0x0  }
0x2c: {  	s23 =	rddreg [dreg:$0x9];
	[sflag:s26] =	ssyncadd.s32 $0xFFFFFF80  }
0x2d: {  	[tilespmem:s29], [sflag:$0x3] =	stream.linear.gather [hbm4b:s23+s18], $0x80, $0x38;
	[tilespmem:$0xCBD0] =	vst v63  }
0x2e: {  	_ =	swait.ge [sflag:s26], $0x80  }
0x2f: {  	[sflag:s26] =	ssyncset.done $0x0  }
0x30: {  	s21 =	rddreg [dreg:$0xa];
	[sflag:s26] =	ssyncadd.s32 $0xFFFFFF80  }
0x31: {  	[tilespmem:s24], [sflag:$0x3] =	stream.linear.gather [hbm4b:s21+s18], $0x80, $0x38;
	[tilespmem:$0xCBD0] =	vst v63  }
0x32: {  	_ =	swait.ge [sflag:s26], $0x80  }
0x33: {  	[sflag:s26] =	ssyncset.done $0x0  }
0x34: {  	[sflag:s26] =	ssyncadd.s32 $0xFFFFFF80  }
0x35: {  	[tilespmem:s30], [sflag:$0x1] =	stream.indirect.gather [hbm4b:s8+s29], $0x20, s18, s29, $0xb8;
	[tilespmem:$0xCBD0] =	vst v63  }
0x36: {  	s22 =	simm.s32 $0x1300  }
0x37: {  	[tilespmem:s22], [sflag:$0x1] =	stream.indirect.gather [hbm4b:s8+s29], $0x20, s24, s29, $0xb8;
	[tilespmem:$0xCBD0] =	vst v63  }
0x38: {  	s23 =	simm.s32 $0x2300  }
0x39: {  	[tilespmem:s23], [sflag:$0x1] =	stream.indirect.gather [hbm4b:s9+s29], $0x20, s24, s29, $0xb8;
	[tilespmem:$0xCBD0] =	vst v63  }
0x3a: {  	s21 =	simm.s32 $0x3300  }
0x3b: {  	[tilespmem:s21], [sflag:$0x1] =	stream.indirect.gather [hbm4b:s9+s29], $0x20, s18, s29, $0xb8;
	[tilespmem:$0xCBD0] =	vst v63  }
0x3c: {  	s22 =	simm.s32 $0x4300  }
0x3d: {  	[tilespmem:s22], [sflag:$0x1] =	stream.indirect.gather [hbm4b:s10+s29], $0x20, s29, s29, $0xb8;
	[tilespmem:$0xCBD0] =	vst v63  }
0x3e: {  	s23 =	simm.s32 $0x5300  }
0x3f: {  	[tilespmem:s23], [sflag:$0x1] =	stream.indirect.gather [hbm4b:s11+s29], $0x20, s29, s29, $0xb8;
	[tilespmem:$0xCBD0] =	vst v63  }
0x40: {  	s21 =	rddreg [dreg:$0xb];
	s22 =	simm.s32 $0xCB00  }
0x41: {  	[tilespmem:s22], [sflag:$0x3] =	stream.linear.gather [hbm4b:s21+s18], $0x80, $0x38;
	[tilespmem:$0xCBD0] =	vst v63  }
0x42: {  	_ =	swait.ge [sflag:s26], $0x80  }
0x43: {  	[sflag:s26] =	ssyncset.done $0x0  }
0x44: {  	[sflag:s26] =	ssyncadd.s32 $0xFFFFFF80  }
0x45: {  	_ =	swait.ge [sflag:s7], $0x1000  }
0x46: {  	[sflag:s7] =	ssyncset.done $0x0  }
0x47: {  	[sflag:s7] =	ssyncadd.s32 $0xFFFFF000  }
0x48: {  	_ =	swait.ge [sflag:s7], $0x1000  }
0x49: {  	[sflag:s7] =	ssyncset.done $0x0  }
0x4a: {  	[sflag:s7] =	ssyncadd.s32 $0xFFFFF000  }
0x4b: {  	_ =	swait.ge [sflag:s7], $0x1000  }
0x4c: {  	[sflag:s7] =	ssyncset.done $0x0  }
0x4d: {  	[sflag:s7] =	ssyncadd.s32 $0xFFFFF000  }
0x4e: {  	_ =	swait.ge [sflag:s7], $0x1000  }
0x4f: {  	[sflag:s7] =	ssyncset.done $0x0  }
0x50: {  	[sflag:s7] =	ssyncadd.s32 $0xFFFFF000  }
0x51: {  	_ =	swait.ge [sflag:s7], $0x1000  }
0x52: {  	[sflag:s7] =	ssyncset.done $0x0  }
0x53: {  	[sflag:s7] =	ssyncadd.s32 $0xFFFFF000  }
0x54: {  	_ =	swait.ge [sflag:s7], $0x1000  }
0x55: {  	[sflag:s7] =	ssyncset.done $0x0  }
0x56: {  	s23 =	simm.s32 $0x0;
	[sflag:s7] =	ssyncadd.s32 $0xFFFFF000  }
0x57: {  	v8 =	vld [tilespmem:s23+$0x2300]  }
0x58: {  	v7 =	vld [tilespmem:s23+$0x3300]  }
0x59: {  	v5 =	vld [tilespmem:s23+$0x4300]  }
0x5a: {  	v10 =	vld [tilespmem:s23+$0x2310]  }
0x5b: {  	v11 =	vld [tilespmem:s23+$0x4310]  }
0x5c: {  	v12 =	vld [tilespmem:s23+$0x310]  }
0x5d: {  	v17 =	vld [tilespmem:s23+$0x1310]  }
0x5e: {  	v19 =	vld [tilespmem:s23+$0x1300]  }
0x5f: {  	v14 =	vld [tilespmem:s23+$0x300]  }
0x60: {  	v9 =	vld [tilespmem:s23+$0x5300];
	v20 =	vmul.f32 v10, v10  }
0x61: {  	v4 =	vld [tilespmem:s23+$0x5310];
	v6 =	vmul.f32 v11, v11;
	v15 =	vmul.f32 v11, v12  }
0x62: {  	v21 =	vmul.f32 v8, v8;
	v13 =	vmul.f32 v12, v12  }
0x63: {  	v22 =	vmul.f32 v19, v19;
	v23 =	vmul.f32 v17, v17  }
0x64: {  	v18 =	vmul.f32 v5, v14;
	v16 =	vmul.f32 v14, v14;
	v14 =	vld [tilespmem:s23+$0x3310]  }
0x65: {  	v11 =	vmul.f32 v7, v7;
	v19 =	vmul.f32 v9, v19  }
0x66: {  	s21 =	simm.s32 $0x80;
	s22 =	simm.s32 $0xC300;
	s18 =	simm.s32 $0xC300;
	v12 =	vadd.f32 v20, v21;
	v20 =	vmul.f32 v4, v17;
	v17 =	vadd.f32 v23, v22  }
.LBB2_2:
0x67: {  	p0 =	sne.s32 s21, $0x3F80  }
0x68: {  	v8 =	vmul.f32 v18, v8;
	v10 =	vmul.f32 v15, v10;
	s22 =	sadd.s32 $0x10, s22;
	s23 =	smov.u32 s21;
	s21 =	sadd.s32 $0x80, s21  }
0x69: {  	v13 =	vadd.f32 v13, v16;
	v7 =	vmul.f32 v19, v7;
	v15 =	vmul.f32 v20, v14  }
0x6a: {  	v9 =	vmul.f32 v9, v9;
	v8 =	vadd.f32 v10, v8;
	v10 =	vmul.f32 v14, v14  }
0x6b: {  	v13 =	vadd.f32 v17, v13;
	v7 =	vadd.f32 v15, v7  }
0x6c: {  	v10 =	vadd.f32 v10, v11  }
0x6d: {  	v5 =	vmul.f32 v5, v5;
	v7 =	vadd.f32 v7, v8;
	v8 =	vadd.f32 v12, v13;
	_ =	sdelay $0x1  }
0x6e: {  	v4 =	vmul.f32 v4, v4;
	v5 =	vadd.f32 v6, v5;
	[tilespmem:s18+$0x0] =	vst v7;
	v7 =	vadd.f32 v10, v8;
	s18 =	smov.u32 s22  }
0x6f: {  	v6 =	vld [tilespmem:$0xCBC0]  }
0x70: {  	v4 =	vadd.f32 v4, v9;
	v5 =	vadd.f32 v5, v7  }
0x71: {  	s23 =	sshra.s32 s23, $0x2  }
0x72: {  	v4 =	vadd.f32 v4, v5;
	_ =	sdelay $0x1  }
0x73: {  	v4 =	vadd.f32 v4, v6;
	_ =	sdelay $0x1  }
0x74: {  	[tilespmem:$0xCBC0] =	vst v4  }
0x75: {  	v8 =	vld [tilespmem:s23+$0x2300]  }
0x76: {  	v7 =	vld [tilespmem:s23+$0x3300]  }
0x77: {  	v5 =	vld [tilespmem:s23+$0x4300]  }
0x78: {  	v10 =	vld [tilespmem:s23+$0x2310]  }
0x79: {  	v4 =	vld [tilespmem:s23+$0x5310]  }
0x7a: {  	v11 =	vld [tilespmem:s23+$0x4310]  }
0x7b: {  	v12 =	vld [tilespmem:s23+$0x310]  }
0x7c: {  	v17 =	vld [tilespmem:s23+$0x1310]  }
0x7d: {  	v19 =	vld [tilespmem:s23+$0x1300]  }
0x7e: {  	v16 =	vld [tilespmem:s23+$0x300]  }
0x7f: {  	v20 =	vmul.f32 v10, v10;
	v9 =	vld [tilespmem:s23+$0x5300];
	v6 =	vmul.f32 v11, v11  }
.Ltmp0:
0x80: {  	v21 =	vmul.f32 v8, v8;
	v15 =	vmul.f32 v11, v12;
	(pc) =	sbr.rel @p0 .LBB2_2-.Ltmp0, $4  }
0x81: {  	v13 =	vmul.f32 v12, v12;
	v11 =	vmul.f32 v7, v7;
	v14 =	vld [tilespmem:s23+$0x3310]  }
0x82: {  	v23 =	vmul.f32 v17, v17;
	v22 =	vmul.f32 v19, v19  }
0x83: {  	v12 =	vadd.f32 v20, v21;
	v18 =	vmul.f32 v5, v16;
	v16 =	vmul.f32 v16, v16  }
0x84: {  	v20 =	vmul.f32 v4, v17;
	v19 =	vmul.f32 v9, v19;
	v17 =	vadd.f32 v23, v22  }
0x85: {  	v8 =	vmul.f32 v18, v8;
	v10 =	vmul.f32 v15, v10  }
0x86: {  	v13 =	vadd.f32 v13, v16;
	v7 =	vmul.f32 v19, v7;
	v51 =	vmul.f32 v20, v14  }
0x87: {  	v52 =	vmul.f32 v14, v14;
	v8 =	vadd.f32 v10, v8  }
0x88: {  	v13 =	vadd.f32 v17, v13;
	v7 =	vadd.f32 v51, v7  }
0x89: {  	v10 =	vadd.f32 v52, v11  }
0x8a: {  	v5 =	vmul.f32 v5, v5;
	v7 =	vadd.f32 v7, v8;
	v8 =	vadd.f32 v12, v13  }
0x8b: {  	v9 =	vmul.f32 v9, v9  }
0x8c: {  	v4 =	vmul.f32 v4, v4;
	s23 =	simm.s32 $0x0;
	v5 =	vadd.f32 v6, v5;
	[tilespmem:s18+$0x0] =	vst v7;
	v7 =	vadd.f32 v10, v8  }
0x8d: {  	v8 =	vmov s23;
	v6 =	vld [tilespmem:$0xCBC0]  }
0x8e: {  	v4 =	vadd.f32 v4, v9;
	v5 =	vadd.f32 v5, v7;
	v7 =	vshll.u32 v8, $0x4  }
0x8f: {  	v7 =	vor.u32 v1, v7  }
0x90: {  	v4 =	vadd.f32 v4, v5;
	v5 =	vor.u32 $0x1, v7;
	_ =	sdelay $0x1  }
0x91: {  	v4 =	vadd.f32 v4, v6  }
0x92: {  	v6 =	vor.u32 $0x2, v7  }
0x93: {  	[tilespmem:$0xCBC0] =	vst v4  }
0x94: {  	v4 =	vld.idx.msk [tilespmem:v5+s31+$0x0], $0xffff;
	v5 =	vor.u32 $0x3, v7  }
0x95: {  	v8 =	vld.idx.msk [tilespmem:v7+s31+$0x0], $0xffff  }
0x96: {  	v53 =	vor.u32 $0x4, v7  }
0x97: {  	v6 =	vld.idx.msk [tilespmem:v6+s31+$0x0], $0xffff  }
0x98: {  	v54 =	vor.u32 $0x5, v7  }
0x99: {  	v5 =	vld.idx.msk [tilespmem:v5+s31+$0x0], $0xffff  }
0x9a: {  	v55 =	vor.u32 $0x6, v7;
	v4 =	vadd.f32 v4, v8  }
0x9b: {  	v8 =	vld.idx.msk [tilespmem:v53+s31+$0x0], $0xffff  }
0x9c: {  	v56 =	vor.u32 $0x7, v7;
	v4 =	vadd.f32 v6, v4  }
0x9d: {  	v6 =	vld.idx.msk [tilespmem:v54+s31+$0x0], $0xffff  }
0x9e: {  	v57 =	vor.u32 $0x8, v7;
	v4 =	vadd.f32 v5, v4  }
0x9f: {  	v5 =	vld.idx.msk [tilespmem:v55+s31+$0x0], $0xffff  }
0xa0: {  	v58 =	vor.u32 $0x9, v7;
	v4 =	vadd.f32 v8, v4  }
0xa1: {  	v8 =	vld.idx.msk [tilespmem:v56+s31+$0x0], $0xffff  }
0xa2: {  	v59 =	vor.u32 $0xA, v7;
	v4 =	vadd.f32 v6, v4  }
0xa3: {  	v6 =	vld.idx.msk [tilespmem:v57+s31+$0x0], $0xffff  }
0xa4: {  	v60 =	vor.u32 $0xB, v7;
	v4 =	vadd.f32 v5, v4  }
0xa5: {  	v5 =	vld.idx.msk [tilespmem:v58+s31+$0x0], $0xffff  }
0xa6: {  	v61 =	vor.u32 $0xC, v7;
	v4 =	vadd.f32 v8, v4  }
0xa7: {  	v8 =	vld.idx.msk [tilespmem:v59+s31+$0x0], $0xffff  }
0xa8: {  	v62 =	vor.u32 $0xD, v7;
	v4 =	vadd.f32 v6, v4  }
0xa9: {  	v6 =	vld.idx.msk [tilespmem:v60+s31+$0x0], $0xffff  }
0xaa: {  	v63 =	vor.u32 $0xE, v7;
	v4 =	vadd.f32 v5, v4  }
0xab: {  	v5 =	vld.idx.msk [tilespmem:v61+s31+$0x0], $0xffff  }
0xac: {  	v7 =	vor.u32 $0xF, v7;
	v4 =	vadd.f32 v8, v4  }
0xad: {  	v8 =	vld.idx.msk [tilespmem:v62+s31+$0x0], $0xffff  }
0xae: {  	v4 =	vadd.f32 v6, v4  }
0xaf: {  	v6 =	vld.idx.msk [tilespmem:v63+s31+$0x0], $0xffff  }
0xb0: {  	v4 =	vadd.f32 v5, v4  }
0xb1: {  	v5 =	vld.idx.msk [tilespmem:v7+s31+$0x0], $0xffff  }
0xb2: {  	v4 =	vadd.f32 v8, v4;
	_ =	sdelay $0x1  }
0xb3: {  	v4 =	vadd.f32 v6, v4;
	_ =	sdelay $0x1  }
0xb4: {  	v4 =	vadd.f32 v5, v4;
	_ =	sdelay $0x1  }
0xb5: {  	v4 =	vmul.f32 v4, v2;
	_ =	sdelay $0x1  }
0xb6: {  	v4 =	vadd.f32 v4, v3;
	_ =	sdelay $0x1  }
0xb7: {  	v4 =	vsub.f32 $0.0e+00, v4;
	_ =	sdelay $0x1  }
0xb8: {  	v4 =	vmul.f32 $1.442695020e+00, v4;
	_ =	sdelay $0x1  }
0xb9: {  	(erf) = vpow2.f32 v4;
	_ =	sdelay $0x8  }
0xba: {  	v4 =	vpop (erf)  }
0xbb: {  	v4 =	vadd.f32 $1.000000000e+00, v4;
	_ =	sdelay $0x1  }
0xbc: {  	(erf) = vrcp.f32 v4;
	_ =	sdelay $0x3  }
0xbd: {  	s18 =	simm.s32 $0xCB00  }
0xbe: {  	v5 =	vld [tilespmem:s18+$0x0];
	_ =	sdelay $0x2  }
0xbf: {  	s21 =	simm.s32 $0x10  }
0xc0: {  	v6 =	vmov s21;
	v4 =	vld [tilespmem:$0xCBA0];
	v7 =	vpop (erf)  }
0xc1: {  	s21 =	simm.s32 $0x20;
	v6 =	vshll.u32 v6, $0x4;
	v5 =	vsub.f32 v7, v5  }
.LBB2_4:
0xc2: {  	p0 =	sne.s32 s21, $0x70;
	v6 =	vor.u32 v1, v6  }
0xc3: {  	v7 =	vor.u32 $0x1, v6;
	v5 =	vmul.f32 v5, v5;
	_ =	sdelay $0x1  }
0xc4: {  	v4 =	vadd.f32 v5, v4  }
0xc5: {  	v5 =	vor.u32 $0x2, v6  }
0xc6: {  	[tilespmem:$0xCBA0] =	vst v4  }
0xc7: {  	v4 =	vld.idx.msk [tilespmem:v7+s31+$0x0], $0xffff;
	v7 =	vor.u32 $0x3, v6  }
0xc8: {  	v8 =	vld.idx.msk [tilespmem:v6+s31+$0x0], $0xffff  }
0xc9: {  	v9 =	vor.u32 $0x4, v6  }
0xca: {  	v5 =	vld.idx.msk [tilespmem:v5+s31+$0x0], $0xffff  }
0xcb: {  	v10 =	vor.u32 $0x5, v6  }
0xcc: {  	v7 =	vld.idx.msk [tilespmem:v7+s31+$0x0], $0xffff  }
0xcd: {  	v11 =	vor.u32 $0x6, v6  }
0xce: {  	v4 =	vadd.f32 v4, v8;
	v8 =	vld.idx.msk [tilespmem:v9+s31+$0x0], $0xffff  }
0xcf: {  	v9 =	vor.u32 $0x7, v6  }
0xd0: {  	v4 =	vadd.f32 v5, v4;
	v5 =	vld.idx.msk [tilespmem:v10+s31+$0x0], $0xffff  }
0xd1: {  	v10 =	vor.u32 $0x8, v6  }
0xd2: {  	v4 =	vadd.f32 v7, v4;
	v7 =	vld.idx.msk [tilespmem:v11+s31+$0x0], $0xffff  }
0xd3: {  	v11 =	vor.u32 $0x9, v6  }
0xd4: {  	v4 =	vadd.f32 v8, v4;
	v8 =	vld.idx.msk [tilespmem:v9+s31+$0x0], $0xffff  }
0xd5: {  	v9 =	vor.u32 $0xA, v6  }
0xd6: {  	v4 =	vadd.f32 v5, v4;
	v5 =	vld.idx.msk [tilespmem:v10+s31+$0x0], $0xffff  }
0xd7: {  	v10 =	vor.u32 $0xB, v6  }
0xd8: {  	v4 =	vadd.f32 v7, v4;
	v7 =	vld.idx.msk [tilespmem:v11+s31+$0x0], $0xffff  }
0xd9: {  	v11 =	vor.u32 $0xC, v6  }
0xda: {  	v4 =	vadd.f32 v8, v4;
	v8 =	vld.idx.msk [tilespmem:v9+s31+$0x0], $0xffff  }
0xdb: {  	v9 =	vor.u32 $0xD, v6  }
0xdc: {  	v4 =	vadd.f32 v5, v4;
	v5 =	vld.idx.msk [tilespmem:v10+s31+$0x0], $0xffff  }
0xdd: {  	v10 =	vor.u32 $0xE, v6  }
0xde: {  	v4 =	vadd.f32 v7, v4;
	v7 =	vld.idx.msk [tilespmem:v11+s31+$0x0], $0xffff  }
0xdf: {  	v6 =	vor.u32 $0xF, v6  }
0xe0: {  	v4 =	vadd.f32 v8, v4;
	v8 =	vld.idx.msk [tilespmem:v9+s31+$0x0], $0xffff;
	_ =	sdelay $0x1  }
0xe1: {  	v4 =	vadd.f32 v5, v4;
	v5 =	vld.idx.msk [tilespmem:v10+s31+$0x0], $0xffff;
	_ =	sdelay $0x1  }
0xe2: {  	v4 =	vadd.f32 v7, v4;
	v6 =	vld.idx.msk [tilespmem:v6+s31+$0x0], $0xffff;
	_ =	sdelay $0x1  }
0xe3: {  	v4 =	vadd.f32 v8, v4;
	_ =	sdelay $0x1  }
0xe4: {  	v4 =	vadd.f32 v5, v4;
	_ =	sdelay $0x1  }
0xe5: {  	v4 =	vadd.f32 v6, v4;
	_ =	sdelay $0x1  }
0xe6: {  	v4 =	vmul.f32 v4, v2;
	_ =	sdelay $0x1  }
0xe7: {  	v4 =	vadd.f32 v4, v3;
	_ =	sdelay $0x1  }
0xe8: {  	v4 =	vsub.f32 $0.0e+00, v4;
	_ =	sdelay $0x1  }
0xe9: {  	v4 =	vmul.f32 $1.442695020e+00, v4;
	_ =	sdelay $0x1  }
0xea: {  	(erf) = vpow2.f32 v4;
	_ =	sdelay $0x8  }
0xeb: {  	v4 =	vpop (erf)  }
0xec: {  	v4 =	vadd.f32 $1.000000000e+00, v4;
	_ =	sdelay $0x1  }
0xed: {  	(erf) = vrcp.f32 v4;
	_ =	sdelay $0x3  }
0xee: {  	s18 =	sadd.s32 $0x10, s18  }
0xef: {  	v5 =	vld [tilespmem:s18+$0x0]  }
.Ltmp1:
0xf0: {  	(pc) =	sbr.rel @p0 .LBB2_4-.Ltmp1, $3  }
0xf1: {  	_ =	sdelay $0x1  }
0xf2: {  	v6 =	vmov s21;
	v4 =	vld [tilespmem:$0xCBA0];
	v7 =	vpop (erf)  }
0xf3: {  	s21 =	sadd.s32 $0x10, s21;
	v6 =	vshll.u32 v6, $0x4;
	v5 =	vsub.f32 v7, v5  }
0xf4: {  	v6 =	vor.u32 v1, v6  }
0xf5: {  	v7 =	vor.u32 $0x1, v6;
	v5 =	vmul.f32 v5, v5;
	_ =	sdelay $0x1  }
0xf6: {  	v4 =	vadd.f32 v5, v4  }
0xf7: {  	v5 =	vor.u32 $0x2, v6  }
0xf8: {  	[tilespmem:$0xCBA0] =	vst v4  }
0xf9: {  	v47 =	vor.u32 $0x3, v6;
	v4 =	vld.idx.msk [tilespmem:v7+s31+$0x0], $0xffff  }
0xfa: {  	v8 =	vld.idx.msk [tilespmem:v6+s31+$0x0], $0xffff  }
0xfb: {  	v9 =	vor.u32 $0x4, v6  }
0xfc: {  	v5 =	vld.idx.msk [tilespmem:v5+s31+$0x0], $0xffff  }
0xfd: {  	v10 =	vor.u32 $0x5, v6  }
0xfe: {  	v7 =	vld.idx.msk [tilespmem:v47+s31+$0x0], $0xffff  }
0xff: {  	v11 =	vor.u32 $0x6, v6;
	v4 =	vadd.f32 v4, v8  }
0x100: {  	v48 =	vld.idx.msk [tilespmem:v9+s31+$0x0], $0xffff  }
0x101: {  	v49 =	vor.u32 $0x7, v6;
	v4 =	vadd.f32 v5, v4  }
0x102: {  	v5 =	vld.idx.msk [tilespmem:v10+s31+$0x0], $0xffff  }
0x103: {  	v50 =	vor.u32 $0x8, v6;
	v4 =	vadd.f32 v7, v4  }
0x104: {  	v51 =	vld.idx.msk [tilespmem:v11+s31+$0x0], $0xffff  }
0x105: {  	v52 =	vor.u32 $0x9, v6;
	v4 =	vadd.f32 v48, v4  }
0x106: {  	v53 =	vld.idx.msk [tilespmem:v49+s31+$0x0], $0xffff  }
0x107: {  	v54 =	vor.u32 $0xA, v6;
	v4 =	vadd.f32 v5, v4  }
0x108: {  	v5 =	vld.idx.msk [tilespmem:v50+s31+$0x0], $0xffff  }
0x109: {  	v55 =	vor.u32 $0xB, v6;
	v4 =	vadd.f32 v51, v4  }
0x10a: {  	v56 =	vld.idx.msk [tilespmem:v52+s31+$0x0], $0xffff  }
0x10b: {  	v57 =	vor.u32 $0xC, v6;
	v4 =	vadd.f32 v53, v4  }
0x10c: {  	v58 =	vld.idx.msk [tilespmem:v54+s31+$0x0], $0xffff  }
0x10d: {  	v59 =	vor.u32 $0xD, v6;
	v4 =	vadd.f32 v5, v4  }
0x10e: {  	v5 =	vld.idx.msk [tilespmem:v55+s31+$0x0], $0xffff  }
0x10f: {  	v60 =	vor.u32 $0xE, v6;
	v4 =	vadd.f32 v56, v4  }
0x110: {  	v61 =	vld.idx.msk [tilespmem:v57+s31+$0x0], $0xffff  }
0x111: {  	v6 =	vor.u32 $0xF, v6;
	v4 =	vadd.f32 v58, v4  }
0x112: {  	v62 =	vld.idx.msk [tilespmem:v59+s31+$0x0], $0xffff  }
0x113: {  	v4 =	vadd.f32 v5, v4  }
0x114: {  	v5 =	vld.idx.msk [tilespmem:v60+s31+$0x0], $0xffff  }
0x115: {  	v4 =	vadd.f32 v61, v4  }
0x116: {  	v6 =	vld.idx.msk [tilespmem:v6+s31+$0x0], $0xffff  }
0x117: {  	v4 =	vadd.f32 v62, v4;
	_ =	sdelay $0x1  }
0x118: {  	v4 =	vadd.f32 v5, v4;
	_ =	sdelay $0x1  }
0x119: {  	v4 =	vadd.f32 v6, v4;
	_ =	sdelay $0x1  }
0x11a: {  	v4 =	vmul.f32 v4, v2;
	_ =	sdelay $0x1  }
0x11b: {  	v4 =	vadd.f32 v4, v3;
	_ =	sdelay $0x1  }
0x11c: {  	v4 =	vsub.f32 $0.0e+00, v4;
	_ =	sdelay $0x1  }
0x11d: {  	v4 =	vmul.f32 $1.442695020e+00, v4;
	_ =	sdelay $0x1  }
0x11e: {  	(erf) = vpow2.f32 v4;
	_ =	sdelay $0x8  }
0x11f: {  	v4 =	vpop (erf)  }
0x120: {  	v4 =	vadd.f32 $1.000000000e+00, v4;
	_ =	sdelay $0x1  }
0x121: {  	(erf) = vrcp.f32 v4;
	_ =	sdelay $0x3  }
0x122: {  	s18 =	sadd.s32 $0x10, s18  }
0x123: {  	v4 =	vld [tilespmem:s18+$0x0];
	_ =	sdelay $0x3  }
0x124: {  	v5 =	vld [tilespmem:$0xCBA0];
	v63 =	vpop (erf)  }
0x125: {  	v4 =	vsub.f32 v63, v4;
	_ =	sdelay $0x1  }
0x126: {  	v4 =	vmul.f32 v4, v4;
	_ =	sdelay $0x1  }
0x127: {  	v4 =	vadd.f32 v4, v5;
	_ =	sdelay $0x1  }
0x128: {  	s2 =	rddreg [dreg:$0xc];
	s18 =	simm.s32 $0x0;
	[tilespmem:$0xCBA0] =	vst v4  }
0x129: {  	[tilespmem:s18], [sflag:$0x3] =	stream.linear.gather [hbm4b:s2+s18], $0x80, $0x38;
	[tilespmem:$0xCBD0] =	vst v63  }
0x12a: {  	_ =	swait.ge [sflag:s26], $0x80  }
0x12b: {  	[sflag:s26] =	ssyncset.done $0x0  }
0x12c: {  	s22 =	rddreg [dreg:$0xd];
	[sflag:s26] =	ssyncadd.s32 $0xFFFFFF80  }
0x12d: {  	[tilespmem:s29], [sflag:$0x3] =	stream.linear.gather [hbm4b:s22+s18], $0x80, $0x38;
	[tilespmem:$0xCBD0] =	vst v63  }
0x12e: {  	_ =	swait.ge [sflag:s26], $0x80  }
0x12f: {  	[sflag:s26] =	ssyncset.done $0x0  }
0x130: {  	s23 =	rddreg [dreg:$0xe];
	[sflag:s26] =	ssyncadd.s32 $0xFFFFFF80  }
0x131: {  	[tilespmem:s24], [sflag:$0x3] =	stream.linear.gather [hbm4b:s23+s18], $0x80, $0x38;
	[tilespmem:$0xCBD0] =	vst v63  }
0x132: {  	_ =	swait.ge [sflag:s26], $0x80  }
0x133: {  	[sflag:s26] =	ssyncset.done $0x0  }
0x134: {  	[sflag:s26] =	ssyncadd.s32 $0xFFFFFF80  }
0x135: {  	[tilespmem:s30], [sflag:$0x1] =	stream.indirect.gather [hbm4b:s8+s29], $0x20, s18, s29, $0xb8;
	[tilespmem:$0xCBD0] =	vst v63  }
0x136: {  	s21 =	simm.s32 $0x1300  }
0x137: {  	[tilespmem:s21], [sflag:$0x1] =	stream.indirect.gather [hbm4b:s8+s29], $0x20, s24, s29, $0xb8;
	[tilespmem:$0xCBD0] =	vst v63  }
0x138: {  	s22 =	simm.s32 $0x2300  }
0x139: {  	[tilespmem:s22], [sflag:$0x1] =	stream.indirect.gather [hbm4b:s9+s29], $0x20, s24, s29, $0xb8;
	[tilespmem:$0xCBD0] =	vst v63  }
0x13a: {  	s23 =	simm.s32 $0x3300  }
0x13b: {  	[tilespmem:s23], [sflag:$0x1] =	stream.indirect.gather [hbm4b:s9+s29], $0x20, s18, s29, $0xb8;
	[tilespmem:$0xCBD0] =	vst v63  }
0x13c: {  	s24 =	simm.s32 $0x4300  }
0x13d: {  	[tilespmem:s24], [sflag:$0x1] =	stream.indirect.gather [hbm4b:s10+s29], $0x20, s29, s29, $0xb8;
	[tilespmem:$0xCBD0] =	vst v63  }
0x13e: {  	s30 =	simm.s32 $0x5300;
	s21 =	simm.s32 $0x0  }
0x13f: {  	[tilespmem:s30], [sflag:$0x1] =	stream.indirect.gather [hbm4b:s11+s29], $0x20, s29, s29, $0xb8;
	[tilespmem:$0xCBD0] =	vst v63  }
.LBB2_6:
0x140: {  	s22 =	sshll.u32 s21, $0x8  }
0x141: {  	s23 =	sadd.s32 s22, s19  }
0x142: {  	s23 =	sshrl.u32 s23, $0x3  }
0x143: {  	s24 =	sadd.s32 s3, s23  }
0x144: {  	[tilespmem:s0], [sflag:$0x3] =	stream.linear.gather [hbm4b:s24+s18], $0x80, $0x38;
	[tilespmem:$0xCBD0] =	vst v63  }
0x145: {  	_ =	swait.ge [sflag:s26], $0x80  }
0x146: {  	[sflag:s26] =	ssyncset.done $0x0  }
0x147: {  	s2 =	sadd.s32 s4, s23;
	[sflag:s26] =	ssyncadd.s32 $0xFFFFFF80  }
0x148: {  	[tilespmem:s6], [sflag:$0x3] =	stream.linear.gather [hbm4b:s2+s18], $0x80, $0x38;
	[tilespmem:$0xCBD0] =	vst v63  }
0x149: {  	_ =	swait.ge [sflag:s26], $0x80  }
0x14a: {  	[sflag:s26] =	ssyncset.done $0x0  }
0x14b: {  	s23 =	sadd.s32 s5, s23;
	[sflag:s26] =	ssyncadd.s32 $0xFFFFFF80  }
0x14c: {  	[tilespmem:s12], [sflag:$0x3] =	stream.linear.gather [hbm4b:s23+s18], $0x80, $0x38;
	[tilespmem:$0xCBD0] =	vst v63  }
0x14d: {  	_ =	swait.ge [sflag:s26], $0x80  }
0x14e: {  	[sflag:s26] =	ssyncset.done $0x0  }
0x14f: {  	[sflag:s26] =	ssyncadd.s32 $0xFFFFFF80  }
0x150: {  	[tilespmem:s1], [sflag:$0x2] =	stream.indirect.gather [hbm4b:s8+s29], $0x20, s0, s29, $0xb8;
	[tilespmem:$0xCBD0] =	vst v63  }
0x151: {  	_ = 	snop  }
0x152: {  	[tilespmem:s13], [sflag:$0x2] =	stream.indirect.gather [hbm4b:s8+s29], $0x20, s12, s29, $0xb8;
	[tilespmem:$0xCBD0] =	vst v63  }
0x153: {  	_ = 	snop  }
0x154: {  	[tilespmem:s25], [sflag:$0x2] =	stream.indirect.gather [hbm4b:s9+s29], $0x20, s12, s29, $0xb8;
	[tilespmem:$0xCBD0] =	vst v63  }
0x155: {  	_ = 	snop  }
0x156: {  	[tilespmem:s28], [sflag:$0x2] =	stream.indirect.gather [hbm4b:s9+s29], $0x20, s0, s29, $0xb8;
	[tilespmem:$0xCBD0] =	vst v63  }
0x157: {  	_ = 	snop  }
0x158: {  	[tilespmem:s14], [sflag:$0x2] =	stream.indirect.gather [hbm4b:s10+s29], $0x20, s6, s29, $0xb8;
	[tilespmem:$0xCBD0] =	vst v63  }
0x159: {  	_ = 	snop  }
0x15a: {  	[tilespmem:s15], [sflag:$0x2] =	stream.indirect.gather [hbm4b:s11+s29], $0x20, s6, s29, $0xb8;
	[tilespmem:$0xCBD0] =	vst v63  }
0x15b: {  	_ =	swait.ge [sflag:s7], $0x1000  }
0x15c: {  	[sflag:s7] =	ssyncset.done $0x0  }
0x15d: {  	[sflag:s7] =	ssyncadd.s32 $0xFFFFF000  }
0x15e: {  	_ =	swait.ge [sflag:s7], $0x1000  }
0x15f: {  	[sflag:s7] =	ssyncset.done $0x0  }
0x160: {  	[sflag:s7] =	ssyncadd.s32 $0xFFFFF000  }
0x161: {  	_ =	swait.ge [sflag:s7], $0x1000  }
0x162: {  	[sflag:s7] =	ssyncset.done $0x0  }
0x163: {  	[sflag:s7] =	ssyncadd.s32 $0xFFFFF000  }
0x164: {  	_ =	swait.ge [sflag:s7], $0x1000  }
0x165: {  	[sflag:s7] =	ssyncset.done $0x0  }
0x166: {  	[sflag:s7] =	ssyncadd.s32 $0xFFFFF000  }
0x167: {  	_ =	swait.ge [sflag:s7], $0x1000  }
0x168: {  	[sflag:s7] =	ssyncset.done $0x0  }
0x169: {  	[sflag:s7] =	ssyncadd.s32 $0xFFFFF000  }
0x16a: {  	_ =	swait.ge [sflag:s7], $0x1000  }
0x16b: {  	[sflag:s7] =	ssyncset.done $0x0  }
0x16c: {  	s24 =	simm.s32 $0x0;
	[sflag:s7] =	ssyncadd.s32 $0xFFFFF000  }
0x16d: {  	v4 =	vld [tilespmem:s24+$0x2300]  }
0x16e: {  	v5 =	vld [tilespmem:s24+$0x2310]  }
0x16f: {  	v6 =	vld [tilespmem:s24+$0x4300]  }
0x170: {  	v7 =	vld [tilespmem:s24+$0x300]  }
0x171: {  	v8 =	vld [tilespmem:s24+$0x310]  }
0x172: {  	v9 =	vld [tilespmem:s24+$0x4310]  }
0x173: {  	v10 =	vld [tilespmem:s24+$0x1300]  }
0x174: {  	v11 =	vld [tilespmem:s24+$0x5300]  }
0x175: {  	v12 =	vld [tilespmem:s24+$0x1310]  }
0x176: {  	v13 =	vld [tilespmem:s24+$0x5310]  }
0x177: {  	v14 =	vld [tilespmem:s24+$0x3300]  }
0x178: {  	v15 =	vld [tilespmem:s24+$0x3310];
	_ =	sdelay $0x1  }
0x179: {  	v6 =	vmul.f32 v6, v7;
	v7 =	vmul.f32 v9, v8  }
0x17a: {  	v8 =	vmul.f32 v11, v10;
	v9 =	vmul.f32 v13, v12  }
0x17b: {  	v4 =	vmul.f32 v6, v4;
	v5 =	vmul.f32 v7, v5  }
0x17c: {  	v6 =	vmul.f32 v8, v14;
	v7 =	vmul.f32 v9, v15;
	_ =	sdelay $0x1  }
0x17d: {  	v4 =	vadd.f32 v5, v4;
	v5 =	vadd.f32 v7, v6;
	_ =	sdelay $0x1  }
0x17e: {  	v4 =	vadd.f32 v5, v4  }
0x17f: {  	s23 =	simm.s32 $0xC300  }
0x180: {  	s30 =	simm.s32 $0x20;
	[tilespmem:s23+$0x0] =	vst v4  }
0x181: {  	v4 =	vld [tilespmem:s30+$0x2300]  }
0x182: {  	v5 =	vld [tilespmem:s30+$0x2310]  }
0x183: {  	v6 =	vld [tilespmem:s30+$0x4300]  }
0x184: {  	v7 =	vld [tilespmem:s30+$0x300]  }
0x185: {  	v8 =	vld [tilespmem:s30+$0x310]  }
0x186: {  	v9 =	vld [tilespmem:s30+$0x4310]  }
0x187: {  	v10 =	vld [tilespmem:s30+$0x1300]  }
0x188: {  	v11 =	vld [tilespmem:s30+$0x5300]  }
0x189: {  	s24 =	simm.s32 $0x100;
	v12 =	vld [tilespmem:s30+$0x1310]  }
.LBB2_7:
0x18a: {  	p0 =	sne.s32 s24, $0x3F80;
	v13 =	vld [tilespmem:s30+$0x5310]  }
0x18b: {  	v14 =	vld [tilespmem:s30+$0x3300]  }
0x18c: {  	v15 =	vld [tilespmem:s30+$0x3310];
	_ =	sdelay $0x1  }
0x18d: {  	v6 =	vmul.f32 v6, v7;
	v7 =	vmul.f32 v9, v8  }
0x18e: {  	v8 =	vmul.f32 v11, v10;
	v9 =	vmul.f32 v13, v12  }
0x18f: {  	v4 =	vmul.f32 v6, v4;
	v5 =	vmul.f32 v7, v5  }
0x190: {  	v6 =	vmul.f32 v8, v14;
	v7 =	vmul.f32 v9, v15;
	_ =	sdelay $0x1  }
0x191: {  	v4 =	vadd.f32 v5, v4;
	v5 =	vadd.f32 v7, v6;
	_ =	sdelay $0x1  }
0x192: {  	v4 =	vadd.f32 v5, v4  }
0x193: {  	s23 =	sadd.s32 $0x10, s23  }
0x194: {  	s30 =	sshra.s32 s24, $0x2;
	[tilespmem:s23+$0x0] =	vst v4  }
0x195: {  	v4 =	vld [tilespmem:s30+$0x2300]  }
0x196: {  	v5 =	vld [tilespmem:s30+$0x2310]  }
0x197: {  	v6 =	vld [tilespmem:s30+$0x4300]  }
0x198: {  	v7 =	vld [tilespmem:s30+$0x300]  }
.Ltmp2:
0x199: {  	v8 =	vld [tilespmem:s30+$0x310];
	(pc) =	sbr.rel @p0 .LBB2_7-.Ltmp2, $4  }
0x19a: {  	v9 =	vld [tilespmem:s30+$0x4310]  }
0x19b: {  	v10 =	vld [tilespmem:s30+$0x1300]  }
0x19c: {  	v11 =	vld [tilespmem:s30+$0x5300]  }
0x19d: {  	s24 =	sadd.s32 $0x80, s24;
	v12 =	vld [tilespmem:s30+$0x1310]  }
0x19e: {  	v13 =	vld [tilespmem:s30+$0x5310]  }
0x19f: {  	v14 =	vld [tilespmem:s30+$0x3300]  }
0x1a0: {  	v15 =	vld [tilespmem:s30+$0x3310];
	_ =	sdelay $0x1  }
0x1a1: {  	v6 =	vmul.f32 v6, v7;
	v7 =	vmul.f32 v9, v8  }
0x1a2: {  	s24 =	simm.s32 $0x0;
	v45 =	vmul.f32 v11, v10;
	v46 =	vmul.f32 v13, v12  }
0x1a3: {  	v4 =	vmul.f32 v6, v4;
	v6 =	vmov s24;
	v5 =	vmul.f32 v7, v5  }
0x1a4: {  	v6 =	vshll.u32 v6, $0x4;
	v7 =	vmul.f32 v45, v14;
	v47 =	vmul.f32 v46, v15  }
0x1a5: {  	v6 =	vor.u32 v1, v6  }
0x1a6: {  	v4 =	vadd.f32 v5, v4;
	v5 =	vadd.f32 v47, v7;
	v7 =	vor.u32 $0x1, v6;
	_ =	sdelay $0x1  }
0x1a7: {  	v4 =	vadd.f32 v5, v4  }
0x1a8: {  	s23 =	sadd.s32 $0x10, s23;
	v5 =	vor.u32 $0x2, v6  }
0x1a9: {  	[tilespmem:s23+$0x0] =	vst v4  }
0x1aa: {  	v4 =	vld.idx.msk [tilespmem:v7+s31+$0x0], $0xffff;
	v7 =	vor.u32 $0x3, v6  }
0x1ab: {  	v48 =	vld.idx.msk [tilespmem:v6+s31+$0x0], $0xffff  }
0x1ac: {  	v49 =	vor.u32 $0x4, v6  }
0x1ad: {  	v5 =	vld.idx.msk [tilespmem:v5+s31+$0x0], $0xffff  }
0x1ae: {  	v50 =	vor.u32 $0x5, v6  }
0x1af: {  	v7 =	vld.idx.msk [tilespmem:v7+s31+$0x0], $0xffff  }
0x1b0: {  	v51 =	vor.u32 $0x6, v6;
	v4 =	vadd.f32 v4, v48  }
0x1b1: {  	v52 =	vld.idx.msk [tilespmem:v49+s31+$0x0], $0xffff  }
0x1b2: {  	v53 =	vor.u32 $0x7, v6;
	v4 =	vadd.f32 v5, v4  }
0x1b3: {  	v5 =	vld.idx.msk [tilespmem:v50+s31+$0x0], $0xffff  }
0x1b4: {  	v54 =	vor.u32 $0x8, v6;
	v4 =	vadd.f32 v7, v4  }
0x1b5: {  	v7 =	vld.idx.msk [tilespmem:v51+s31+$0x0], $0xffff  }
0x1b6: {  	v55 =	vor.u32 $0x9, v6;
	v4 =	vadd.f32 v52, v4  }
0x1b7: {  	v56 =	vld.idx.msk [tilespmem:v53+s31+$0x0], $0xffff  }
0x1b8: {  	v57 =	vor.u32 $0xA, v6;
	v4 =	vadd.f32 v5, v4  }
0x1b9: {  	v5 =	vld.idx.msk [tilespmem:v54+s31+$0x0], $0xffff  }
0x1ba: {  	v58 =	vor.u32 $0xB, v6;
	v4 =	vadd.f32 v7, v4  }
0x1bb: {  	v7 =	vld.idx.msk [tilespmem:v55+s31+$0x0], $0xffff  }
0x1bc: {  	v59 =	vor.u32 $0xC, v6;
	v4 =	vadd.f32 v56, v4  }
0x1bd: {  	v60 =	vld.idx.msk [tilespmem:v57+s31+$0x0], $0xffff  }
0x1be: {  	v61 =	vor.u32 $0xD, v6;
	v4 =	vadd.f32 v5, v4  }
0x1bf: {  	v5 =	vld.idx.msk [tilespmem:v58+s31+$0x0], $0xffff  }
0x1c0: {  	v62 =	vor.u32 $0xE, v6;
	v4 =	vadd.f32 v7, v4  }
0x1c1: {  	v7 =	vld.idx.msk [tilespmem:v59+s31+$0x0], $0xffff  }
0x1c2: {  	v6 =	vor.u32 $0xF, v6;
	v4 =	vadd.f32 v60, v4  }
0x1c3: {  	v63 =	vld.idx.msk [tilespmem:v61+s31+$0x0], $0xffff  }
0x1c4: {  	v4 =	vadd.f32 v5, v4  }
0x1c5: {  	v5 =	vld.idx.msk [tilespmem:v62+s31+$0x0], $0xffff  }
0x1c6: {  	v4 =	vadd.f32 v7, v4  }
0x1c7: {  	v6 =	vld.idx.msk [tilespmem:v6+s31+$0x0], $0xffff  }
0x1c8: {  	v4 =	vadd.f32 v63, v4;
	_ =	sdelay $0x1  }
0x1c9: {  	v4 =	vadd.f32 v5, v4;
	_ =	sdelay $0x1  }
0x1ca: {  	v4 =	vadd.f32 v6, v4;
	_ =	sdelay $0x1  }
0x1cb: {  	v4 =	vmul.f32 v4, v2;
	_ =	sdelay $0x1  }
0x1cc: {  	v4 =	vadd.f32 v4, v3;
	_ =	sdelay $0x1  }
0x1cd: {  	v4 =	vsub.f32 $0.0e+00, v4;
	_ =	sdelay $0x1  }
0x1ce: {  	v4 =	vmul.f32 $1.442695020e+00, v4;
	_ =	sdelay $0x1  }
0x1cf: {  	(erf) = vpow2.f32 v4;
	_ =	sdelay $0x8  }
0x1d0: {  	v4 =	vpop (erf)  }
0x1d1: {  	v4 =	vadd.f32 $1.000000000e+00, v4;
	_ =	sdelay $0x1  }
0x1d2: {  	(erf) = vrcp.f32 v4;
	_ =	sdelay $0x5  }
0x1d3: {  	s30 =	simm.s32 $0x10  }
0x1d4: {  	v5 =	vmov s30;
	v4 =	vld [tilespmem:$0xCBB0]  }
0x1d5: {  	s23 =	simm.s32 $0x20;
	v5 =	vshll.u32 v5, $0x4  }
.LBB2_9:
0x1d6: {  	p0 =	sne.s32 s23, $0x70;
	v5 =	vor.u32 v1, v5;
	v6 =	vpop (erf)  }
0x1d7: {  	v7 =	vor.u32 $0x1, v5;
	v6 =	vmul.f32 v6, v6;
	_ =	sdelay $0x1  }
0x1d8: {  	v4 =	vadd.f32 v6, v4  }
0x1d9: {  	v6 =	vor.u32 $0x2, v5  }
0x1da: {  	[tilespmem:$0xCBB0] =	vst v4  }
0x1db: {  	v4 =	vld.idx.msk [tilespmem:v7+s31+$0x0], $0xffff;
	v7 =	vor.u32 $0x3, v5  }
0x1dc: {  	v8 =	vld.idx.msk [tilespmem:v5+s31+$0x0], $0xffff  }
0x1dd: {  	v9 =	vor.u32 $0x4, v5  }
0x1de: {  	v6 =	vld.idx.msk [tilespmem:v6+s31+$0x0], $0xffff  }
0x1df: {  	v10 =	vor.u32 $0x5, v5  }
0x1e0: {  	v7 =	vld.idx.msk [tilespmem:v7+s31+$0x0], $0xffff  }
0x1e1: {  	v11 =	vor.u32 $0x6, v5  }
0x1e2: {  	v4 =	vadd.f32 v4, v8;
	v8 =	vld.idx.msk [tilespmem:v9+s31+$0x0], $0xffff  }
0x1e3: {  	v9 =	vor.u32 $0x7, v5  }
0x1e4: {  	v4 =	vadd.f32 v6, v4;
	v6 =	vld.idx.msk [tilespmem:v10+s31+$0x0], $0xffff  }
0x1e5: {  	v10 =	vor.u32 $0x8, v5  }
0x1e6: {  	v4 =	vadd.f32 v7, v4;
	v7 =	vld.idx.msk [tilespmem:v11+s31+$0x0], $0xffff  }
0x1e7: {  	v11 =	vor.u32 $0x9, v5  }
0x1e8: {  	v4 =	vadd.f32 v8, v4;
	v8 =	vld.idx.msk [tilespmem:v9+s31+$0x0], $0xffff  }
0x1e9: {  	v9 =	vor.u32 $0xA, v5  }
0x1ea: {  	v4 =	vadd.f32 v6, v4;
	v6 =	vld.idx.msk [tilespmem:v10+s31+$0x0], $0xffff  }
0x1eb: {  	v10 =	vor.u32 $0xB, v5  }
0x1ec: {  	v4 =	vadd.f32 v7, v4;
	v7 =	vld.idx.msk [tilespmem:v11+s31+$0x0], $0xffff  }
0x1ed: {  	v11 =	vor.u32 $0xC, v5  }
0x1ee: {  	v4 =	vadd.f32 v8, v4;
	v8 =	vld.idx.msk [tilespmem:v9+s31+$0x0], $0xffff  }
0x1ef: {  	v9 =	vor.u32 $0xD, v5  }
0x1f0: {  	v4 =	vadd.f32 v6, v4;
	v6 =	vld.idx.msk [tilespmem:v10+s31+$0x0], $0xffff  }
0x1f1: {  	v10 =	vor.u32 $0xE, v5  }
0x1f2: {  	v4 =	vadd.f32 v7, v4;
	v7 =	vld.idx.msk [tilespmem:v11+s31+$0x0], $0xffff  }
0x1f3: {  	v5 =	vor.u32 $0xF, v5  }
0x1f4: {  	v4 =	vadd.f32 v8, v4;
	v8 =	vld.idx.msk [tilespmem:v9+s31+$0x0], $0xffff;
	_ =	sdelay $0x1  }
0x1f5: {  	v4 =	vadd.f32 v6, v4;
	v6 =	vld.idx.msk [tilespmem:v10+s31+$0x0], $0xffff;
	_ =	sdelay $0x1  }
0x1f6: {  	v4 =	vadd.f32 v7, v4;
	v5 =	vld.idx.msk [tilespmem:v5+s31+$0x0], $0xffff;
	_ =	sdelay $0x1  }
0x1f7: {  	v4 =	vadd.f32 v8, v4;
	_ =	sdelay $0x1  }
0x1f8: {  	v4 =	vadd.f32 v6, v4;
	_ =	sdelay $0x1  }
0x1f9: {  	v4 =	vadd.f32 v5, v4;
	_ =	sdelay $0x1  }
0x1fa: {  	v4 =	vmul.f32 v4, v2;
	_ =	sdelay $0x1  }
0x1fb: {  	v4 =	vadd.f32 v4, v3;
	_ =	sdelay $0x1  }
0x1fc: {  	v4 =	vsub.f32 $0.0e+00, v4;
	_ =	sdelay $0x1  }
0x1fd: {  	v4 =	vmul.f32 $1.442695020e+00, v4;
	_ =	sdelay $0x1  }
0x1fe: {  	(erf) = vpow2.f32 v4;
	_ =	sdelay $0x8  }
0x1ff: {  	v4 =	vpop (erf)  }
0x200: {  	v4 =	vadd.f32 $1.000000000e+00, v4;
	_ =	sdelay $0x1  }
0x201: {  	(erf) = vrcp.f32 v4;
	_ =	sdelay $0x3  }
.Ltmp3:
0x202: {  	(pc) =	sbr.rel @p0 .LBB2_9-.Ltmp3, $3  }
0x203: {  	_ =	sdelay $0x1  }
0x204: {  	v5 =	vmov s23;
	v4 =	vld [tilespmem:$0xCBB0]  }
0x205: {  	s23 =	sadd.s32 $0x10, s23;
	v5 =	vshll.u32 v5, $0x4  }
0x206: {  	v5 =	vor.u32 v1, v5;
	v6 =	vpop (erf)  }
0x207: {  	v7 =	vor.u32 $0x1, v5;
	v6 =	vmul.f32 v6, v6;
	_ =	sdelay $0x1  }
0x208: {  	v4 =	vadd.f32 v6, v4  }
0x209: {  	v6 =	vor.u32 $0x2, v5  }
0x20a: {  	[tilespmem:$0xCBB0] =	vst v4  }
0x20b: {  	v4 =	vld.idx.msk [tilespmem:v7+s31+$0x0], $0xffff;
	v7 =	vor.u32 $0x3, v5  }
0x20c: {  	v8 =	vld.idx.msk [tilespmem:v5+s31+$0x0], $0xffff  }
0x20d: {  	v9 =	vor.u32 $0x4, v5  }
0x20e: {  	v6 =	vld.idx.msk [tilespmem:v6+s31+$0x0], $0xffff  }
0x20f: {  	v10 =	vor.u32 $0x5, v5  }
0x210: {  	v7 =	vld.idx.msk [tilespmem:v7+s31+$0x0], $0xffff  }
0x211: {  	v11 =	vor.u32 $0x6, v5;
	v4 =	vadd.f32 v4, v8  }
0x212: {  	v8 =	vld.idx.msk [tilespmem:v9+s31+$0x0], $0xffff  }
0x213: {  	v9 =	vor.u32 $0x7, v5;
	v4 =	vadd.f32 v6, v4  }
0x214: {  	v6 =	vld.idx.msk [tilespmem:v10+s31+$0x0], $0xffff  }
0x215: {  	v10 =	vor.u32 $0x8, v5;
	v4 =	vadd.f32 v7, v4  }
0x216: {  	v7 =	vld.idx.msk [tilespmem:v11+s31+$0x0], $0xffff  }
0x217: {  	v11 =	vor.u32 $0x9, v5;
	v4 =	vadd.f32 v8, v4  }
0x218: {  	v8 =	vld.idx.msk [tilespmem:v9+s31+$0x0], $0xffff  }
0x219: {  	v9 =	vor.u32 $0xA, v5;
	v4 =	vadd.f32 v6, v4  }
0x21a: {  	v6 =	vld.idx.msk [tilespmem:v10+s31+$0x0], $0xffff  }
0x21b: {  	v10 =	vor.u32 $0xB, v5;
	v4 =	vadd.f32 v7, v4  }
0x21c: {  	v7 =	vld.idx.msk [tilespmem:v11+s31+$0x0], $0xffff  }
0x21d: {  	v11 =	vor.u32 $0xC, v5;
	v4 =	vadd.f32 v8, v4  }
0x21e: {  	v8 =	vld.idx.msk [tilespmem:v9+s31+$0x0], $0xffff  }
0x21f: {  	v9 =	vor.u32 $0xD, v5;
	v4 =	vadd.f32 v6, v4  }
0x220: {  	v6 =	vld.idx.msk [tilespmem:v10+s31+$0x0], $0xffff  }
0x221: {  	v10 =	vor.u32 $0xE, v5;
	v4 =	vadd.f32 v7, v4  }
0x222: {  	v7 =	vld.idx.msk [tilespmem:v11+s31+$0x0], $0xffff  }
0x223: {  	v5 =	vor.u32 $0xF, v5;
	v4 =	vadd.f32 v8, v4  }
0x224: {  	v8 =	vld.idx.msk [tilespmem:v9+s31+$0x0], $0xffff  }
0x225: {  	v4 =	vadd.f32 v6, v4  }
0x226: {  	v6 =	vld.idx.msk [tilespmem:v10+s31+$0x0], $0xffff  }
0x227: {  	v4 =	vadd.f32 v7, v4  }
0x228: {  	v5 =	vld.idx.msk [tilespmem:v5+s31+$0x0], $0xffff  }
0x229: {  	v4 =	vadd.f32 v8, v4;
	_ =	sdelay $0x1  }
0x22a: {  	v4 =	vadd.f32 v6, v4;
	_ =	sdelay $0x1  }
0x22b: {  	v4 =	vadd.f32 v5, v4;
	_ =	sdelay $0x1  }
0x22c: {  	v4 =	vmul.f32 v4, v2;
	_ =	sdelay $0x1  }
0x22d: {  	v4 =	vadd.f32 v4, v3;
	_ =	sdelay $0x1  }
0x22e: {  	v4 =	vsub.f32 $0.0e+00, v4;
	_ =	sdelay $0x1  }
0x22f: {  	v4 =	vmul.f32 $1.442695020e+00, v4;
	_ =	sdelay $0x1  }
0x230: {  	(erf) = vpow2.f32 v4;
	_ =	sdelay $0x8  }
0x231: {  	v4 =	vpop (erf)  }
0x232: {  	v4 =	vadd.f32 $1.000000000e+00, v4;
	_ =	sdelay $0x1  }
0x233: {  	(erf) = vrcp.f32 v4;
	_ =	sdelay $0x6  }
0x234: {  	v4 =	vld [tilespmem:$0xCBB0];
	_ =	sdelay $0x1  }
0x235: {  	v5 =	vpop (erf)  }
0x236: {  	v5 =	vmul.f32 v5, v5  }
0x237: {  	p0 =	seq.s32 s21, $0x9  }
0x238: {  	s22 =	sadd.s32 @!p0 s22, s20;
	v4 =	vadd.f32 v5, v4  }
0x239: {  	s22 =	sshrl.u32 @!p0 s22, $0x3  }
0x23a: {  	s24 =	simm.s32 @!p0 $0x0;
	s23 =	sadd.s32 @!p0 s3, s22;
	[tilespmem:$0xCBB0] =	vst v4  }
0x23b: {  	[tilespmem:s24], [sflag:$0x3] =	stream.linear.gather @!p0 [hbm4b:s23+s24], $0x80, $0x38;
	[tilespmem:$0xCBD0] =	vst v63  }
0x23c: {  	s23 =	simm.s32 @!p0 $0x3  }
0x23d: {  	_ =	swait.ge @!p0 [sflag:s23], $0x80  }
0x23e: {  	[sflag:s23] =	ssyncset.done @!p0 $0x0  }
0x23f: {  	s2 =	simm.s32 @!p0 $0x80;
	s30 =	sadd.s32 @!p0 s4, s22;
	[sflag:s23] =	ssyncadd.s32 @!p0 $0xFFFFFF80  }
0x240: {  	[tilespmem:s2], [sflag:$0x3] =	stream.linear.gather @!p0 [hbm4b:s30+s24], $0x80, $0x38;
	[tilespmem:$0xCBD0] =	vst v63  }
0x241: {  	_ =	swait.ge @!p0 [sflag:s23], $0x80  }
0x242: {  	[sflag:s23] =	ssyncset.done @!p0 $0x0  }
0x243: {  	s22 =	sadd.s32 @!p0 s5, s22;
	s30 =	simm.s32 @!p0 $0x100;
	[sflag:s23] =	ssyncadd.s32 @!p0 $0xFFFFFF80  }
0x244: {  	[tilespmem:s30], [sflag:$0x3] =	stream.linear.gather @!p0 [hbm4b:s22+s24], $0x80, $0x38;
	[tilespmem:$0xCBD0] =	vst v63  }
0x245: {  	_ =	swait.ge @!p0 [sflag:s23], $0x80  }
0x246: {  	[sflag:s23] =	ssyncset.done @!p0 $0x0  }
0x247: {  	s22 =	simm.s32 @!p0 $0x300;
	[sflag:s23] =	ssyncadd.s32 @!p0 $0xFFFFFF80  }
0x248: {  	[tilespmem:s22], [sflag:$0x1] =	stream.indirect.gather @!p0 [hbm4b:s8+s2], $0x20, s24, s2, $0xb8;
	[tilespmem:$0xCBD0] =	vst v63  }
0x249: {  	s22 =	simm.s32 @!p0 $0x1300  }
0x24a: {  	[tilespmem:s22], [sflag:$0x1] =	stream.indirect.gather @!p0 [hbm4b:s8+s2], $0x20, s30, s2, $0xb8;
	[tilespmem:$0xCBD0] =	vst v63  }
0x24b: {  	s22 =	simm.s32 @!p0 $0x2300  }
0x24c: {  	[tilespmem:s22], [sflag:$0x1] =	stream.indirect.gather @!p0 [hbm4b:s9+s2], $0x20, s30, s2, $0xb8;
	[tilespmem:$0xCBD0] =	vst v63  }
0x24d: {  	s22 =	simm.s32 @!p0 $0x3300  }
0x24e: {  	[tilespmem:s22], [sflag:$0x1] =	stream.indirect.gather @!p0 [hbm4b:s9+s2], $0x20, s24, s2, $0xb8;
	[tilespmem:$0xCBD0] =	vst v63  }
0x24f: {  	s22 =	simm.s32 @!p0 $0x4300  }
0x250: {  	[tilespmem:s22], [sflag:$0x1] =	stream.indirect.gather @!p0 [hbm4b:s10+s2], $0x20, s2, s2, $0xb8;
	[tilespmem:$0xCBD0] =	vst v63  }
0x251: {  	s22 =	simm.s32 @!p0 $0x5300  }
0x252: {  	[tilespmem:s22], [sflag:$0x1] =	stream.indirect.gather @!p0 [hbm4b:s11+s2], $0x20, s2, s2, $0xb8;
	[tilespmem:$0xCBD0] =	vst v63  }
0x253: {  	_ =	swait.ge [sflag:s16], $0x1000  }
0x254: {  	[sflag:s16] =	ssyncset.done $0x0  }
0x255: {  	[sflag:s16] =	ssyncadd.s32 $0xFFFFF000  }
0x256: {  	_ =	swait.ge [sflag:s16], $0x1000  }
0x257: {  	[sflag:s16] =	ssyncset.done $0x0  }
0x258: {  	[sflag:s16] =	ssyncadd.s32 $0xFFFFF000  }
0x259: {  	_ =	swait.ge [sflag:s16], $0x1000  }
0x25a: {  	[sflag:s16] =	ssyncset.done $0x0  }
0x25b: {  	[sflag:s16] =	ssyncadd.s32 $0xFFFFF000  }
0x25c: {  	_ =	swait.ge [sflag:s16], $0x1000  }
0x25d: {  	[sflag:s16] =	ssyncset.done $0x0  }
0x25e: {  	[sflag:s16] =	ssyncadd.s32 $0xFFFFF000  }
0x25f: {  	_ =	swait.ge [sflag:s16], $0x1000  }
0x260: {  	[sflag:s16] =	ssyncset.done $0x0  }
0x261: {  	[sflag:s16] =	ssyncadd.s32 $0xFFFFF000  }
0x262: {  	_ =	swait.ge [sflag:s16], $0x1000  }
0x263: {  	[sflag:s16] =	ssyncset.done $0x0  }
0x264: {  	s24 =	simm.s32 $0x0;
	[sflag:s16] =	ssyncadd.s32 $0xFFFFF000  }
0x265: {  	v4 =	vld [tilespmem:s24+$0x8300]  }
0x266: {  	v5 =	vld [tilespmem:s24+$0x8310]  }
0x267: {  	v6 =	vld [tilespmem:s24+$0xA300]  }
0x268: {  	v7 =	vld [tilespmem:s24+$0x6300]  }
0x269: {  	v8 =	vld [tilespmem:s24+$0x6310]  }
0x26a: {  	v9 =	vld [tilespmem:s24+$0xA310]  }
0x26b: {  	v10 =	vld [tilespmem:s24+$0x7300]  }
0x26c: {  	v11 =	vld [tilespmem:s24+$0xB300]  }
0x26d: {  	v12 =	vld [tilespmem:s24+$0x7310]  }
0x26e: {  	v13 =	vld [tilespmem:s24+$0xB310]  }
0x26f: {  	v14 =	vld [tilespmem:s24+$0x9300]  }
0x270: {  	v15 =	vld [tilespmem:s24+$0x9310];
	_ =	sdelay $0x1  }
0x271: {  	v6 =	vmul.f32 v6, v7;
	v7 =	vmul.f32 v9, v8  }
0x272: {  	v8 =	vmul.f32 v11, v10;
	v9 =	vmul.f32 v13, v12  }
0x273: {  	v4 =	vmul.f32 v6, v4;
	v5 =	vmul.f32 v7, v5  }
0x274: {  	v6 =	vmul.f32 v8, v14;
	v7 =	vmul.f32 v9, v15;
	_ =	sdelay $0x1  }
0x275: {  	v4 =	vadd.f32 v5, v4;
	v5 =	vadd.f32 v7, v6;
	_ =	sdelay $0x1  }
0x276: {  	v4 =	vadd.f32 v5, v4  }
0x277: {  	s22 =	simm.s32 $0xC300  }
0x278: {  	s30 =	simm.s32 $0x20;
	[tilespmem:s22+$0x0] =	vst v4  }
0x279: {  	v4 =	vld [tilespmem:s30+$0x8300]  }
0x27a: {  	v5 =	vld [tilespmem:s30+$0x8310]  }
0x27b: {  	v6 =	vld [tilespmem:s30+$0xA300]  }
0x27c: {  	v7 =	vld [tilespmem:s30+$0x6300]  }
0x27d: {  	v8 =	vld [tilespmem:s30+$0x6310]  }
0x27e: {  	v9 =	vld [tilespmem:s30+$0xA310]  }
0x27f: {  	v10 =	vld [tilespmem:s30+$0x7300]  }
0x280: {  	v11 =	vld [tilespmem:s30+$0xB300]  }
0x281: {  	s23 =	simm.s32 $0x0;
	s24 =	simm.s32 $0x100;
	v12 =	vld [tilespmem:s30+$0x7310]  }
.LBB2_11:
0x282: {  	p0 =	sne.s32 s24, $0x3F80;
	v13 =	vld [tilespmem:s30+$0xB310]  }
0x283: {  	v14 =	vld [tilespmem:s30+$0x9300]  }
0x284: {  	v15 =	vld [tilespmem:s30+$0x9310];
	_ =	sdelay $0x1  }
0x285: {  	v6 =	vmul.f32 v6, v7;
	v7 =	vmul.f32 v9, v8  }
0x286: {  	v8 =	vmul.f32 v11, v10;
	v9 =	vmul.f32 v13, v12  }
0x287: {  	v4 =	vmul.f32 v6, v4;
	v5 =	vmul.f32 v7, v5  }
0x288: {  	v6 =	vmul.f32 v8, v14;
	v7 =	vmul.f32 v9, v15;
	_ =	sdelay $0x1  }
0x289: {  	v4 =	vadd.f32 v5, v4;
	v5 =	vadd.f32 v7, v6;
	_ =	sdelay $0x1  }
0x28a: {  	v4 =	vadd.f32 v5, v4  }
0x28b: {  	s22 =	sadd.s32 $0x10, s22  }
0x28c: {  	s30 =	sshra.s32 s24, $0x2;
	[tilespmem:s22+$0x0] =	vst v4  }
0x28d: {  	v4 =	vld [tilespmem:s30+$0x8300]  }
0x28e: {  	v5 =	vld [tilespmem:s30+$0x8310]  }
0x28f: {  	v6 =	vld [tilespmem:s30+$0xA300]  }
0x290: {  	v7 =	vld [tilespmem:s30+$0x6300]  }
.Ltmp4:
0x291: {  	v8 =	vld [tilespmem:s30+$0x6310];
	(pc) =	sbr.rel @p0 .LBB2_11-.Ltmp4, $4  }
0x292: {  	v9 =	vld [tilespmem:s30+$0xA310]  }
0x293: {  	v10 =	vld [tilespmem:s30+$0x7300]  }
0x294: {  	v11 =	vld [tilespmem:s30+$0xB300]  }
0x295: {  	s24 =	sadd.s32 $0x80, s24;
	v12 =	vld [tilespmem:s30+$0x7310]  }
0x296: {  	v13 =	vld [tilespmem:s30+$0xB310]  }
0x297: {  	v14 =	vld [tilespmem:s30+$0x9300]  }
0x298: {  	v15 =	vld [tilespmem:s30+$0x9310];
	_ =	sdelay $0x1  }
0x299: {  	v6 =	vmul.f32 v6, v7;
	v7 =	vmul.f32 v9, v8  }
0x29a: {  	v45 =	vmul.f32 v11, v10;
	v46 =	vmul.f32 v13, v12  }
0x29b: {  	v4 =	vmul.f32 v6, v4;
	v6 =	vmov s23;
	v5 =	vmul.f32 v7, v5  }
0x29c: {  	v6 =	vshll.u32 v6, $0x4;
	v7 =	vmul.f32 v45, v14;
	v47 =	vmul.f32 v46, v15  }
0x29d: {  	v6 =	vor.u32 v1, v6  }
0x29e: {  	v4 =	vadd.f32 v5, v4;
	v5 =	vadd.f32 v47, v7;
	v7 =	vor.u32 $0x1, v6;
	_ =	sdelay $0x1  }
0x29f: {  	v4 =	vadd.f32 v5, v4  }
0x2a0: {  	s2 =	sadd.s32 $0x10, s22;
	v5 =	vor.u32 $0x2, v6  }
0x2a1: {  	[tilespmem:s2+$0x0] =	vst v4  }
0x2a2: {  	v4 =	vld.idx.msk [tilespmem:v7+s31+$0x0], $0xffff;
	v7 =	vor.u32 $0x3, v6  }
0x2a3: {  	v48 =	vld.idx.msk [tilespmem:v6+s31+$0x0], $0xffff  }
0x2a4: {  	v49 =	vor.u32 $0x4, v6  }
0x2a5: {  	v5 =	vld.idx.msk [tilespmem:v5+s31+$0x0], $0xffff  }
0x2a6: {  	v50 =	vor.u32 $0x5, v6  }
0x2a7: {  	v7 =	vld.idx.msk [tilespmem:v7+s31+$0x0], $0xffff  }
0x2a8: {  	v51 =	vor.u32 $0x6, v6;
	v4 =	vadd.f32 v4, v48  }
0x2a9: {  	v52 =	vld.idx.msk [tilespmem:v49+s31+$0x0], $0xffff  }
0x2aa: {  	v53 =	vor.u32 $0x7, v6;
	v4 =	vadd.f32 v5, v4  }
0x2ab: {  	v5 =	vld.idx.msk [tilespmem:v50+s31+$0x0], $0xffff  }
0x2ac: {  	v54 =	vor.u32 $0x8, v6;
	v4 =	vadd.f32 v7, v4  }
0x2ad: {  	v7 =	vld.idx.msk [tilespmem:v51+s31+$0x0], $0xffff  }
0x2ae: {  	v55 =	vor.u32 $0x9, v6;
	v4 =	vadd.f32 v52, v4  }
0x2af: {  	v56 =	vld.idx.msk [tilespmem:v53+s31+$0x0], $0xffff  }
0x2b0: {  	v57 =	vor.u32 $0xA, v6;
	v4 =	vadd.f32 v5, v4  }
0x2b1: {  	v5 =	vld.idx.msk [tilespmem:v54+s31+$0x0], $0xffff  }
0x2b2: {  	v58 =	vor.u32 $0xB, v6;
	v4 =	vadd.f32 v7, v4  }
0x2b3: {  	v7 =	vld.idx.msk [tilespmem:v55+s31+$0x0], $0xffff  }
0x2b4: {  	v59 =	vor.u32 $0xC, v6;
	v4 =	vadd.f32 v56, v4  }
0x2b5: {  	v60 =	vld.idx.msk [tilespmem:v57+s31+$0x0], $0xffff  }
0x2b6: {  	v61 =	vor.u32 $0xD, v6;
	v4 =	vadd.f32 v5, v4  }
0x2b7: {  	v5 =	vld.idx.msk [tilespmem:v58+s31+$0x0], $0xffff  }
0x2b8: {  	v62 =	vor.u32 $0xE, v6;
	v4 =	vadd.f32 v7, v4  }
0x2b9: {  	v7 =	vld.idx.msk [tilespmem:v59+s31+$0x0], $0xffff  }
0x2ba: {  	v6 =	vor.u32 $0xF, v6;
	v4 =	vadd.f32 v60, v4  }
0x2bb: {  	v63 =	vld.idx.msk [tilespmem:v61+s31+$0x0], $0xffff  }
0x2bc: {  	v4 =	vadd.f32 v5, v4  }
0x2bd: {  	v5 =	vld.idx.msk [tilespmem:v62+s31+$0x0], $0xffff  }
0x2be: {  	v4 =	vadd.f32 v7, v4  }
0x2bf: {  	v6 =	vld.idx.msk [tilespmem:v6+s31+$0x0], $0xffff  }
0x2c0: {  	v4 =	vadd.f32 v63, v4;
	_ =	sdelay $0x1  }
0x2c1: {  	v4 =	vadd.f32 v5, v4;
	_ =	sdelay $0x1  }
0x2c2: {  	v4 =	vadd.f32 v6, v4;
	_ =	sdelay $0x1  }
0x2c3: {  	v4 =	vmul.f32 v4, v2;
	_ =	sdelay $0x1  }
0x2c4: {  	v4 =	vadd.f32 v4, v3;
	_ =	sdelay $0x1  }
0x2c5: {  	v4 =	vsub.f32 $0.0e+00, v4;
	_ =	sdelay $0x1  }
0x2c6: {  	v4 =	vmul.f32 $1.442695020e+00, v4;
	_ =	sdelay $0x1  }
0x2c7: {  	(erf) = vpow2.f32 v4;
	_ =	sdelay $0x8  }
0x2c8: {  	v4 =	vpop (erf)  }
0x2c9: {  	v4 =	vadd.f32 $1.000000000e+00, v4;
	_ =	sdelay $0x1  }
0x2ca: {  	(erf) = vrcp.f32 v4;
	_ =	sdelay $0x5  }
0x2cb: {  	s30 =	simm.s32 $0x10  }
0x2cc: {  	v5 =	vmov s30;
	v4 =	vld [tilespmem:$0xCBB0]  }
0x2cd: {  	s22 =	simm.s32 $0x20;
	v5 =	vshll.u32 v5, $0x4  }
.LBB2_13:
0x2ce: {  	p0 =	sne.s32 s22, $0x70;
	v5 =	vor.u32 v1, v5;
	v6 =	vpop (erf)  }
0x2cf: {  	v7 =	vor.u32 $0x1, v5;
	v6 =	vmul.f32 v6, v6;
	_ =	sdelay $0x1  }
0x2d0: {  	v4 =	vadd.f32 v6, v4  }
0x2d1: {  	v6 =	vor.u32 $0x2, v5  }
0x2d2: {  	[tilespmem:$0xCBB0] =	vst v4  }
0x2d3: {  	v4 =	vld.idx.msk [tilespmem:v7+s31+$0x0], $0xffff;
	v7 =	vor.u32 $0x3, v5  }
0x2d4: {  	v8 =	vld.idx.msk [tilespmem:v5+s31+$0x0], $0xffff  }
0x2d5: {  	v9 =	vor.u32 $0x4, v5  }
0x2d6: {  	v6 =	vld.idx.msk [tilespmem:v6+s31+$0x0], $0xffff  }
0x2d7: {  	v10 =	vor.u32 $0x5, v5  }
0x2d8: {  	v7 =	vld.idx.msk [tilespmem:v7+s31+$0x0], $0xffff  }
0x2d9: {  	v11 =	vor.u32 $0x6, v5  }
0x2da: {  	v4 =	vadd.f32 v4, v8;
	v8 =	vld.idx.msk [tilespmem:v9+s31+$0x0], $0xffff  }
0x2db: {  	v9 =	vor.u32 $0x7, v5  }
0x2dc: {  	v4 =	vadd.f32 v6, v4;
	v6 =	vld.idx.msk [tilespmem:v10+s31+$0x0], $0xffff  }
0x2dd: {  	v10 =	vor.u32 $0x8, v5  }
0x2de: {  	v4 =	vadd.f32 v7, v4;
	v7 =	vld.idx.msk [tilespmem:v11+s31+$0x0], $0xffff  }
0x2df: {  	v11 =	vor.u32 $0x9, v5  }
0x2e0: {  	v4 =	vadd.f32 v8, v4;
	v8 =	vld.idx.msk [tilespmem:v9+s31+$0x0], $0xffff  }
0x2e1: {  	v9 =	vor.u32 $0xA, v5  }
0x2e2: {  	v4 =	vadd.f32 v6, v4;
	v6 =	vld.idx.msk [tilespmem:v10+s31+$0x0], $0xffff  }
0x2e3: {  	v10 =	vor.u32 $0xB, v5  }
0x2e4: {  	v4 =	vadd.f32 v7, v4;
	v7 =	vld.idx.msk [tilespmem:v11+s31+$0x0], $0xffff  }
0x2e5: {  	v11 =	vor.u32 $0xC, v5  }
0x2e6: {  	v4 =	vadd.f32 v8, v4;
	v8 =	vld.idx.msk [tilespmem:v9+s31+$0x0], $0xffff  }
0x2e7: {  	v9 =	vor.u32 $0xD, v5  }
0x2e8: {  	v4 =	vadd.f32 v6, v4;
	v6 =	vld.idx.msk [tilespmem:v10+s31+$0x0], $0xffff  }
0x2e9: {  	v10 =	vor.u32 $0xE, v5  }
0x2ea: {  	v4 =	vadd.f32 v7, v4;
	v7 =	vld.idx.msk [tilespmem:v11+s31+$0x0], $0xffff  }
0x2eb: {  	v5 =	vor.u32 $0xF, v5  }
0x2ec: {  	v4 =	vadd.f32 v8, v4;
	v8 =	vld.idx.msk [tilespmem:v9+s31+$0x0], $0xffff;
	_ =	sdelay $0x1  }
0x2ed: {  	v4 =	vadd.f32 v6, v4;
	v6 =	vld.idx.msk [tilespmem:v10+s31+$0x0], $0xffff;
	_ =	sdelay $0x1  }
0x2ee: {  	v4 =	vadd.f32 v7, v4;
	v5 =	vld.idx.msk [tilespmem:v5+s31+$0x0], $0xffff;
	_ =	sdelay $0x1  }
0x2ef: {  	v4 =	vadd.f32 v8, v4;
	_ =	sdelay $0x1  }
0x2f0: {  	v4 =	vadd.f32 v6, v4;
	_ =	sdelay $0x1  }
0x2f1: {  	v4 =	vadd.f32 v5, v4;
	_ =	sdelay $0x1  }
0x2f2: {  	v4 =	vmul.f32 v4, v2;
	_ =	sdelay $0x1  }
0x2f3: {  	v4 =	vadd.f32 v4, v3;
	_ =	sdelay $0x1  }
0x2f4: {  	v4 =	vsub.f32 $0.0e+00, v4;
	_ =	sdelay $0x1  }
0x2f5: {  	v4 =	vmul.f32 $1.442695020e+00, v4;
	_ =	sdelay $0x1  }
0x2f6: {  	(erf) = vpow2.f32 v4;
	_ =	sdelay $0x8  }
0x2f7: {  	v4 =	vpop (erf)  }
0x2f8: {  	v4 =	vadd.f32 $1.000000000e+00, v4;
	_ =	sdelay $0x1  }
0x2f9: {  	(erf) = vrcp.f32 v4;
	_ =	sdelay $0x3  }
.Ltmp5:
0x2fa: {  	(pc) =	sbr.rel @p0 .LBB2_13-.Ltmp5, $3  }
0x2fb: {  	_ =	sdelay $0x1  }
0x2fc: {  	v5 =	vmov s22;
	v4 =	vld [tilespmem:$0xCBB0]  }
0x2fd: {  	s22 =	sadd.s32 $0x10, s22;
	v5 =	vshll.u32 v5, $0x4  }
0x2fe: {  	v5 =	vor.u32 v1, v5;
	v6 =	vpop (erf)  }
0x2ff: {  	v7 =	vor.u32 $0x1, v5;
	v6 =	vmul.f32 v6, v6;
	_ =	sdelay $0x1  }
0x300: {  	v4 =	vadd.f32 v6, v4  }
0x301: {  	v43 =	vor.u32 $0x2, v5  }
0x302: {  	[tilespmem:$0xCBB0] =	vst v4  }
0x303: {  	v44 =	vor.u32 $0x3, v5;
	v4 =	vld.idx.msk [tilespmem:v7+s31+$0x0], $0xffff  }
0x304: {  	v8 =	vld.idx.msk [tilespmem:v5+s31+$0x0], $0xffff  }
0x305: {  	v9 =	vor.u32 $0x4, v5  }
0x306: {  	v6 =	vld.idx.msk [tilespmem:v43+s31+$0x0], $0xffff  }
0x307: {  	v10 =	vor.u32 $0x5, v5  }
0x308: {  	v7 =	vld.idx.msk [tilespmem:v44+s31+$0x0], $0xffff  }
0x309: {  	v11 =	vor.u32 $0x6, v5;
	v4 =	vadd.f32 v4, v8  }
0x30a: {  	v45 =	vld.idx.msk [tilespmem:v9+s31+$0x0], $0xffff  }
0x30b: {  	v46 =	vor.u32 $0x7, v5;
	v4 =	vadd.f32 v6, v4  }
0x30c: {  	v47 =	vld.idx.msk [tilespmem:v10+s31+$0x0], $0xffff  }
0x30d: {  	v48 =	vor.u32 $0x8, v5;
	v4 =	vadd.f32 v7, v4  }
0x30e: {  	v49 =	vld.idx.msk [tilespmem:v11+s31+$0x0], $0xffff  }
0x30f: {  	v50 =	vor.u32 $0x9, v5;
	v4 =	vadd.f32 v45, v4  }
0x310: {  	v51 =	vld.idx.msk [tilespmem:v46+s31+$0x0], $0xffff  }
0x311: {  	v52 =	vor.u32 $0xA, v5;
	v4 =	vadd.f32 v47, v4  }
0x312: {  	v53 =	vld.idx.msk [tilespmem:v48+s31+$0x0], $0xffff  }
0x313: {  	v54 =	vor.u32 $0xB, v5;
	v4 =	vadd.f32 v49, v4  }
0x314: {  	v55 =	vld.idx.msk [tilespmem:v50+s31+$0x0], $0xffff  }
0x315: {  	v56 =	vor.u32 $0xC, v5;
	v4 =	vadd.f32 v51, v4  }
0x316: {  	v57 =	vld.idx.msk [tilespmem:v52+s31+$0x0], $0xffff  }
0x317: {  	v58 =	vor.u32 $0xD, v5;
	v4 =	vadd.f32 v53, v4  }
0x318: {  	v59 =	vld.idx.msk [tilespmem:v54+s31+$0x0], $0xffff  }
0x319: {  	v60 =	vor.u32 $0xE, v5;
	v4 =	vadd.f32 v55, v4  }
0x31a: {  	v61 =	vld.idx.msk [tilespmem:v56+s31+$0x0], $0xffff  }
0x31b: {  	v5 =	vor.u32 $0xF, v5;
	v4 =	vadd.f32 v57, v4  }
0x31c: {  	v62 =	vld.idx.msk [tilespmem:v58+s31+$0x0], $0xffff  }
0x31d: {  	v4 =	vadd.f32 v59, v4  }
0x31e: {  	v63 =	vld.idx.msk [tilespmem:v60+s31+$0x0], $0xffff  }
0x31f: {  	v4 =	vadd.f32 v61, v4  }
0x320: {  	v5 =	vld.idx.msk [tilespmem:v5+s31+$0x0], $0xffff  }
0x321: {  	v4 =	vadd.f32 v62, v4;
	_ =	sdelay $0x1  }
0x322: {  	v4 =	vadd.f32 v63, v4;
	_ =	sdelay $0x1  }
0x323: {  	v4 =	vadd.f32 v5, v4;
	_ =	sdelay $0x1  }
0x324: {  	v4 =	vmul.f32 v4, v2;
	_ =	sdelay $0x1  }
0x325: {  	v4 =	vadd.f32 v4, v3;
	_ =	sdelay $0x1  }
0x326: {  	v4 =	vsub.f32 $0.0e+00, v4;
	_ =	sdelay $0x1  }
0x327: {  	v4 =	vmul.f32 $1.442695020e+00, v4;
	_ =	sdelay $0x1  }
0x328: {  	(erf) = vpow2.f32 v4;
	_ =	sdelay $0x8  }
0x329: {  	v4 =	vpop (erf)  }
0x32a: {  	v4 =	vadd.f32 $1.000000000e+00, v4;
	_ =	sdelay $0x1  }
0x32b: {  	(erf) = vrcp.f32 v4;
	_ =	sdelay $0x6  }
0x32c: {  	v4 =	vld [tilespmem:$0xCBB0]  }
0x32d: {  	s21 =	sadd.s32 $0x1, s21  }
0x32e: {  	p0 =	sne.s32 s21, $0xA;
	v5 =	vpop (erf)  }
.Ltmp6:
0x32f: {  	v5 =	vmul.f32 v5, v5;
	(pc) =	sbr.rel @p0 .LBB2_6-.Ltmp6, $3  }
0x330: {  	_ = 	snop  }
0x331: {  	v4 =	vadd.f32 v5, v4;
	_ =	sdelay $0x1  }
0x332: {  	[tilespmem:$0xCBB0] =	vst v4  }
0x333: {  	s18 =	simm.s32 $0x0;
	s2 =	rddreg [dreg:$0xf];
	s21 =	simm.s32 $0xCBA0  }
0x334: {  	[hbm4b:s2+s18] =	stream.linear.scatter [tilespmem:s21], [sflag:$0x3], $0x10, $0x38;
	[tilespmem:$0xCBD0] =	vst v63  }
0x335: {  	_ =	swait.ge [sflag:s26], $0x10  }
0x336: {  	[sflag:s26] =	ssyncset.done $0x0  }
0x337: {  	s24 =	simm.s32 $0xCBB0;
	s23 =	rddreg [dreg:$0x10];
	[sflag:s26] =	ssyncadd.s32 $0xFFFFFFF0  }
0x338: {  	[hbm4b:s23+s18] =	stream.linear.scatter [tilespmem:s24], [sflag:$0x3], $0x10, $0x38;
	[tilespmem:$0xCBD0] =	vst v63  }
0x339: {  	_ =	swait.ge [sflag:s26], $0x10  }
0x33a: {  	[sflag:s26] =	ssyncset.done $0x0  }
0x33b: {  	s23 =	simm.s32 $0xCBC0;
	s22 =	rddreg [dreg:$0x11];
	[sflag:s26] =	ssyncadd.s32 $0xFFFFFFF0  }
0x33c: {  	[hbm4b:s22+s18] =	stream.linear.scatter [tilespmem:s23], [sflag:$0x3], $0x10, $0x38;
	[tilespmem:$0xCBD0] =	vst v63  }
0x33d: {  	_ =	swait.ge [sflag:s26], $0x10  }
0x33e: {  	s17 =	sadd.s32 $0x1, s17;
	s24 =	rddreg [dreg:$0x12]  }
0x33f: {  	p0 =	sne.s32 s17, s24  }
.Ltmp7:
0x340: {  	_ = 	snop;
	(pc) =	sbr.rel @p0 .LBB2_1-.Ltmp7, $3  }
0x341: {  	_ =	sdelay $0x1  }
0x342: {  	[sflag:s26] =	ssyncset.done $0x0  }
0x343: {  	s30 =	simm.s32 $0x300;
	[sflag:s26] =	ssyncadd.s32 $0xFFFFFFF0;
	s24 =	simm.s32 $0x100  }
0x344: {  	_ =	sfence.sel $0x180000  }
0x345: {  	[bflag:$0x0] =	sbarrier.arrive $0xFFFF  }
0x346: {  	_ =	strace $0x90000047  }
0x347: {  	s0 =	stileid.u32;
	[bflag:$0x2] =	sbarrier.arrive $0xFFFF  }
0x348: {  	p0 =	sne.s32 s0, $0x0;
	s0 =	rddreg [dreg:$0x6]  }
0x349: {  	s0 =	sadd.s32 @!p0 $0x100000, s0  }
0x34a: {  	[sflag:s0] =	ssyncadd.tile.s32 @!p0 $0x1;
	_ =	shalt  }
.Lfunc_end2:
_tile_overlayer_lowered:
.L_overlay_start_2:
0x34b: {  	(tag) =	ssettag $0x2  }
0x34c: {  	s0 =	rddreg [dreg:$0x0];
	s2 =	stileid.u32  }
0x34d: {  	s1 =	rddreg [dreg:$0x1];
	p0 =	sne.s32 s2, $0x0  }
0x34e: {  	s3 =	rddreg [dreg:$0x2];
	[bflag:$0x3] =	sbarrier.arrive $0xFFFF;
	s2 =	simm.s32 @!p0 $0x1C03  }
0x34f: {  	[timem:s3], [sflag:s2] =	dma.local @!p0 [hbm:s0], s1  }
0x350: {  	s0 =	simm.s32 @!p0 $0x3  }
0x351: {  	_ =	swait.ge @!p0 [sflag:s0], s1  }
0x352: {  	s1 =	ssub.s32 @!p0 $0x0, s1;
	[sflag:s0] =	ssyncset.done @!p0 $0x0  }
0x353: {  	[sflag:s0] =	ssyncadd.s32 @!p0 s1  }
0x354: {  	[bflag:$0x3] =	sbarrier.arrive $0xFFFF  }
0x355: {  	_ =	shalt  }

</sc_bundles>
